<compile_context>
chip_gen: v7x
topology: tpu7x:2x2x1
jax: 0.10.2.dev20260603
libtpu: 0.0.44.dev20260713+nightly
codegen_flags: <defaults>
</compile_context>

<pallas_src>
import functools

import jax
import jax.numpy as jnp
from jax import lax
from jax.experimental import pallas as pl
from jax.experimental.pallas import tpu as pltpu
from jax.experimental.pallas import tpu_sc as plsc

GAMMA = 0.99

B = 16384
A = 1024
RB = 1024
G = 3
GROWS = 4096
SC_ROWS = G * GROWS
TAIL = B - SC_ROWS
NBLKG = GROWS // RB

NC = 2
NS = 16
NW = NC * NS
PER_W = GROWS // NW
WPB = RB // PER_W
L = 16
CROWS = 16
NCHUNK = PER_W // CROWS
NBUF = 4



def _argmax_body(av_ref, rew_ref, done_ref, cidx_ref, scale_ref, bias_ref):
    av = av_ref[...]
    mx = jnp.max(av, axis=1, keepdims=True)
    cols = lax.broadcasted_iota(jnp.int32, (RB, A), 1)
    big = jnp.int32(2**30)
    cand = jnp.where(av == mx, cols, big)
    cidx_ref[0, 0, :] = jnp.min(cand, axis=1)
    dn = done_ref[...]
    rw = rew_ref[...]
    sc = jnp.where(dn != jnp.float32(0.0), jnp.float32(0.0), jnp.float32(GAMMA))
    scale_ref[0, 0, :] = sc[:, 0]
    bias_ref[0, 0, :] = rw[:, 0]


def _argmax_cols(action_values, rew2d, done2d, g):
    shp = jax.ShapeDtypeStruct((NBLKG, 1, RB), jnp.float32)
    return pl.pallas_call(
        _argmax_body,
        grid=(NBLKG,),
        in_specs=[
            pl.BlockSpec((RB, A), lambda i, g=g: (g * NBLKG + i, 0)),
            pl.BlockSpec((RB, 1), lambda i, g=g: (g * NBLKG + i, 0)),
            pl.BlockSpec((RB, 1), lambda i, g=g: (g * NBLKG + i, 0)),
        ],
        out_specs=[
            pl.BlockSpec((1, 1, RB), lambda i: (i, 0, 0)),
            pl.BlockSpec((1, 1, RB), lambda i: (i, 0, 0)),
            pl.BlockSpec((1, 1, RB), lambda i: (i, 0, 0)),
        ],
        out_shape=[
            jax.ShapeDtypeStruct((NBLKG, 1, RB), jnp.int32), shp, shp,
        ],
    )(action_values, rew2d, done2d)



def _sc_body(g, actual_hbm, cidx_hbm, scale_hbm, bias_hbm, out_hbm,
             cidx_v, buf0_v, buf1_v, buf2_v, buf3_v, scale_v, bias_v, out_v,
             sem0, sem1, sem2, sem3):
    wid = lax.axis_index("s") * NC + lax.axis_index("c")
    lbase = wid * PER_W
    base = g * GROWS + lbase
    blk = wid // WPB
    off = (wid % WPB) * PER_W
    pltpu.sync_copy(cidx_hbm.at[blk, 0, pl.ds(off, PER_W)], cidx_v)
    pltpu.sync_copy(scale_hbm.at[blk, 0, pl.ds(off, PER_W)], scale_v)
    pltpu.sync_copy(bias_hbm.at[blk, 0, pl.ds(off, PER_W)], bias_v)
    lanes = lax.iota(jnp.int32, L)

    bufs = [buf0_v, buf1_v, buf2_v, buf3_v]
    sems = [sem0, sem1, sem2, sem3]
    descs = [None] * NCHUNK
    for k in range(NBUF - 1):
        descs[k] = pltpu.async_copy(
            actual_hbm.at[pl.ds(base + k * CROWS, CROWS)],
            bufs[k % NBUF], sems[k % NBUF])
    for k in range(NCHUNK):
        if k + NBUF - 1 < NCHUNK:
            kk = k + NBUF - 1
            descs[kk] = pltpu.async_copy(
                actual_hbm.at[pl.ds(base + kk * CROWS, CROWS)],
                bufs[kk % NBUF], sems[kk % NBUF])
        descs[k].wait()
        buf = bufs[k % NBUF]
        for h in range(CROWS // L):
            sl = pl.ds(k * CROWS + h * L, L)
            cvec = cidx_v[sl]
            lr = lanes + h * L
            v = plsc.load_gather(buf, [lr, cvec])
            out_v[sl] = v * scale_v[sl] + bias_v[sl]
    pltpu.sync_copy(out_v, out_hbm.at[pl.ds(lbase, PER_W)])


def _sc_select_epilogue(actual, cidx3, scale3, bias3, g):
    mesh = plsc.VectorSubcoreMesh(
        core_axis_name="c", subcore_axis_name="s",
        num_cores=NC, num_subcores=NS,
    )
    f = functools.partial(
        pl.kernel,
        mesh=mesh,
        out_type=jax.ShapeDtypeStruct((GROWS,), jnp.float32),
        scratch_types=[
            pltpu.VMEM((PER_W,), jnp.int32),
            pltpu.VMEM((CROWS, A), jnp.float32),
            pltpu.VMEM((CROWS, A), jnp.float32),
            pltpu.VMEM((CROWS, A), jnp.float32),
            pltpu.VMEM((CROWS, A), jnp.float32),
            pltpu.VMEM((PER_W,), jnp.float32),
            pltpu.VMEM((PER_W,), jnp.float32),
            pltpu.VMEM((PER_W,), jnp.float32),
            pltpu.SemaphoreType.DMA,
            pltpu.SemaphoreType.DMA,
            pltpu.SemaphoreType.DMA,
            pltpu.SemaphoreType.DMA,
        ],
        compiler_params=pltpu.CompilerParams(
            use_tc_tiling_on_sc=True, needs_layout_passes=False,
            skip_device_barrier=True, has_side_effects=False),
    )(functools.partial(_sc_body, g))
    return f(actual, cidx3, scale3, bias3)



def _fused_body(actual_ref, action_ref, rew_ref, done_ref, out_ref):
    av = action_ref[...]
    ac = actual_ref[...]
    mx = jnp.max(av, axis=1, keepdims=True)
    cols = lax.broadcasted_iota(jnp.int32, (RB, A), 1)
    big = jnp.int32(2**30)
    cand = jnp.where(av == mx, cols, big)
    cstar = jnp.min(cand, axis=1, keepdims=True)
    val = jnp.sum(jnp.where(cand == cstar, ac, jnp.float32(0.0)),
                  axis=1, keepdims=True)
    dn = done_ref[...]
    rw = rew_ref[...]
    w = jnp.where(dn != jnp.float32(0.0), jnp.float32(0.0), val)
    out_ref[...] = w * jnp.float32(GAMMA) + rw


def _fused_tail(actual, action, rew2d, done2d):
    off = SC_ROWS // RB
    out = pl.pallas_call(
        _fused_body,
        grid=(TAIL // RB,),
        in_specs=[
            pl.BlockSpec((RB, A), lambda i: (off + i, 0)),
            pl.BlockSpec((RB, A), lambda i: (off + i, 0)),
            pl.BlockSpec((RB, 1), lambda i: (off + i, 0)),
            pl.BlockSpec((RB, 1), lambda i: (off + i, 0)),
        ],
        out_specs=pl.BlockSpec((RB, 1), lambda i: (i, 0)),
        out_shape=jax.ShapeDtypeStruct((TAIL, 1), jnp.float32),
    )(actual, action, rew2d, done2d)
    return out.reshape(TAIL)


def kernel(next_state_actual_values, next_state_action_values, reward, is_done):
    done2d = is_done.astype(jnp.float32)
    outs = []
    for g in range(G):
        cidx3, scale3, bias3 = _argmax_cols(
            next_state_action_values, reward, done2d, g)
        outs.append(_sc_select_epilogue(
            next_state_actual_values, cidx3, scale3, bias3, g))
    outs.append(_fused_tail(
        next_state_actual_values, next_state_action_values, reward, done2d))
    return jnp.concatenate(outs)

# --- scband reference (transcript-rebuilt; emitter-appended) ---
"""Pipeline reference for scband-double-qprime-layer-12378095747419 (READ-ONLY COPY).

The authoritative reference and input builder live on the scoring server;
editing this copy changes nothing except your own understanding.
"""

import jax, jax.numpy as jnp
import numpy as np

GAMMA = 0.99

def setup_inputs(seed: int = 0) -> dict:
    key = jax.random.key(seed)
    k1, k2, k3, k4 = jax.random.split(key, 4)
    next_state_actual_values = jax.random.normal(k1, (16384, 1024), dtype=jnp.float32)
    next_state_action_values = jax.random.normal(k2, (16384, 1024), dtype=jnp.float32)
    reward = jax.random.normal(k3, (16384, 1), dtype=jnp.float32)
    is_done = jax.random.randint(k4, (16384, 1), 0, 2).astype(jnp.bool_)
    return {
        "next_state_actual_values": next_state_actual_values,
        "next_state_action_values": next_state_action_values,
        "reward": reward,
        "is_done": is_done,
    }

def reference(next_state_actual_values, next_state_action_values, reward, is_done):
    squeezed_done = jnp.squeeze(is_done, axis=1)
    action_values_idxs = jnp.argmax(next_state_action_values, axis=1)
    # gather_nd equivalent: per-row gather of the argmax column
    action_values = jnp.take_along_axis(
        next_state_actual_values, action_values_idxs[:, None], axis=1
    )[:, 0]
    new_values = jnp.where(squeezed_done, jnp.zeros((1,), dtype=jnp.float32), action_values)
    squeezed_reward = jnp.squeeze(reward, axis=1)
    adjusted_q_prime = new_values * GAMMA + squeezed_reward
    return adjusted_q_prime

if __name__ == "__main__":
    import jax
    _d = setup_inputs()
    print(jax.jit(kernel)(*tuple(_d.values())))

</pallas_src>

<mosaic_0001>
#map = affine_map<(d0, d1) -> (0, 0)>
#map1 = affine_map<(d0, d1) -> (0, 0, 0)>
#map2 = affine_map<(d0, d1) -> (0)>
module attributes {stable_mosaic.version = 14 : i64} {
  func.func @_sc_body(%arg0: i32, %arg1: i32, %arg2: memref<16384x1024xf32, #tpu.memory_space<hbm>>, %arg3: memref<4x1x1024xi32, #tpu.memory_space<hbm>>, %arg4: memref<4x1x1024xf32, #tpu.memory_space<hbm>>, %arg5: memref<4x1x1024xf32, #tpu.memory_space<hbm>>, %arg6: memref<4096xf32, #tpu.memory_space<hbm>>, %arg7: memref<128xi32, #tpu.memory_space<vmem>>, %arg8: memref<16x1024xf32, #tpu.memory_space<vmem>>, %arg9: memref<16x1024xf32, #tpu.memory_space<vmem>>, %arg10: memref<16x1024xf32, #tpu.memory_space<vmem>>, %arg11: memref<16x1024xf32, #tpu.memory_space<vmem>>, %arg12: memref<128xf32, #tpu.memory_space<vmem>>, %arg13: memref<128xf32, #tpu.memory_space<vmem>>, %arg14: memref<128xf32, #tpu.memory_space<vmem>>, %arg15: memref<!tpu.dma_semaphore, #tpu.memory_space<semaphore_mem>>, %arg16: memref<!tpu.dma_semaphore, #tpu.memory_space<semaphore_mem>>, %arg17: memref<!tpu.dma_semaphore, #tpu.memory_space<semaphore_mem>>, %arg18: memref<!tpu.dma_semaphore, #tpu.memory_space<semaphore_mem>>) attributes {dimension_semantics = [#tpu.dimension_semantics<core_parallel>, #tpu.dimension_semantics<subcore_parallel>], iteration_bounds = array<i64: 2, 16>, scalar_prefetch = 0 : i64, scratch_operands = 12 : i64, tpu.core_type = #tpu.core_type<sc_vector_subcore>, window_params = [{transform_indices = #map}, {transform_indices = #map1}, {transform_indices = #map1}, {transform_indices = #map1}, {transform_indices = #map2}]} {
    %mul3A = arith.constant 2 : i32
    %mul3A_0 = arith.muli %arg1, %mul3A : i32
    %add3A = arith.addi %mul3A_0, %arg0 : i32
    %mul3A_1 = arith.constant 128 : i32
    %mul3A_2 = arith.muli %add3A, %mul3A_1 : i32
    %add3A_3 = arith.constant 0 : i32
    %add3A_4 = arith.addi %add3A_3, %mul3A_2 : i32
    %jit3A = arith.constant 8 : i32
    %div3A = arith.divsi %add3A, %jit3A : i32
    %sign3A = arith.constant 0 : i32
    %sign3A_5 = arith.cmpi sgt, %add3A, %sign3A : i32
    %sign3A_6 = arith.extui %sign3A_5 : i1 to i32
    %sign3A_7 = arith.constant 0 : i32
    %sign3A_8 = arith.cmpi slt, %add3A, %sign3A_7 : i32
    %sign3A_9 = arith.extui %sign3A_8 : i1 to i32
    %sign3A_10 = arith.subi %sign3A_6, %sign3A_9 : i32
    %sign3A_11 = arith.constant 0 : i32
    %sign3A_12 = arith.cmpi sgt, %jit3A, %sign3A_11 : i32
    %sign3A_13 = arith.extui %sign3A_12 : i1 to i32
    %sign3A_14 = arith.constant 0 : i32
    %sign3A_15 = arith.cmpi slt, %jit3A, %sign3A_14 : i32
    %sign3A_16 = arith.extui %sign3A_15 : i1 to i32
    %sign3A_17 = arith.subi %sign3A_13, %sign3A_16 : i32
    %ne3A = arith.cmpi ne, %sign3A_10, %sign3A_17 : i32
    %rem3A = arith.remsi %add3A, %jit3A : i32
    %ne3A_18 = arith.constant 0 : i32
    %ne3A_19 = arith.cmpi ne, %rem3A, %ne3A_18 : i32
    %and3A = arith.andi %ne3A, %ne3A_19 : i1
    %sub3A = arith.constant 1 : i32
    %sub3A_20 = arith.subi %div3A, %sub3A : i32
    %select_n3A = arith.select %and3A, %sub3A_20, %div3A : i32
    %jit3A_21 = arith.constant 8 : i32
    %eq3A = arith.constant 0 : i32
    %eq3A_22 = arith.cmpi eq, %jit3A_21, %eq3A : i32
    %jit3A_23 = arith.constant 1 : i32
    %select_n3A_24 = arith.select %eq3A_22, %jit3A_23, %jit3A_21 : i32
    %rem3A_25 = arith.remsi %add3A, %select_n3A_24 : i32
    %ne3A_26 = arith.constant 0 : i32
    %ne3A_27 = arith.cmpi ne, %rem3A_25, %ne3A_26 : i32
    %lt3A = arith.constant 0 : i32
    %lt3A_28 = arith.cmpi slt, %rem3A_25, %lt3A : i32
    %lt3A_29 = arith.constant 0 : i32
    %lt3A_30 = arith.cmpi slt, %select_n3A_24, %lt3A_29 : i32
    %ne3A_31 = arith.xori %lt3A_28, %lt3A_30 : i1
    %and3A_32 = arith.andi %ne3A_31, %ne3A_27 : i1
    %add3A_33 = arith.addi %rem3A_25, %select_n3A_24 : i32
    %select_n3A_34 = arith.select %and3A_32, %add3A_33, %rem3A_25 : i32
    %mul3A_35 = arith.constant 128 : i32
    %mul3A_36 = arith.muli %select_n3A_34, %mul3A_35 : i32
    %run_scoped3A = arith.constant 0 : i32
    "tpu.region"() ({
      %run_scoped3A_226 = tpu.sem_alloc : memref<!tpu.dma_semaphore, #tpu.memory_space<semaphore_mem>>
      %dma_start3A_227 = tpu.memref_slice %arg3[%select_n3A, %run_scoped3A, %mul3A_36] : memref<4x1x1024xi32, #tpu.memory_space<hbm>> -> memref<1x1x128xi32, #tpu.memory_space<hbm>>
      %dma_start3A_228 = tpu.memref_squeeze %dma_start3A_227 : memref<1x1x128xi32, #tpu.memory_space<hbm>> -> memref<128xi32, #tpu.memory_space<hbm>>
      %dma_start3A_229 = tpu.memref_slice %arg3[%select_n3A, %run_scoped3A, %mul3A_36] : memref<4x1x1024xi32, #tpu.memory_space<hbm>> -> memref<1x1x128xi32, #tpu.memory_space<hbm>>
      %dma_start3A_230 = tpu.memref_squeeze %dma_start3A_229 : memref<1x1x128xi32, #tpu.memory_space<hbm>> -> memref<128xi32, #tpu.memory_space<hbm>>
      tpu.enqueue_dma source(%dma_start3A_230 : memref<128xi32, #tpu.memory_space<hbm>>) target(%arg7 : memref<128xi32, #tpu.memory_space<vmem>>) target_semaphore(%run_scoped3A_226 : memref<!tpu.dma_semaphore, #tpu.memory_space<semaphore_mem>>)
      %dma_wait3A_231 = tpu.memref_slice %arg3[%select_n3A, %run_scoped3A, %mul3A_36] : memref<4x1x1024xi32, #tpu.memory_space<hbm>> -> memref<1x1x128xi32, #tpu.memory_space<hbm>>
      %dma_wait3A_232 = tpu.memref_squeeze %dma_wait3A_231 : memref<1x1x128xi32, #tpu.memory_space<hbm>> -> memref<128xi32, #tpu.memory_space<hbm>>
      %dma_wait3A_233 = tpu.memref_slice %arg3[%select_n3A, %run_scoped3A, %mul3A_36] : memref<4x1x1024xi32, #tpu.memory_space<hbm>> -> memref<1x1x128xi32, #tpu.memory_space<hbm>>
      %dma_wait3A_234 = tpu.memref_squeeze %dma_wait3A_233 : memref<1x1x128xi32, #tpu.memory_space<hbm>> -> memref<128xi32, #tpu.memory_space<hbm>>
      tpu.wait_dma2 semaphore(%run_scoped3A_226 : memref<!tpu.dma_semaphore, #tpu.memory_space<semaphore_mem>>) src(%dma_wait3A_234 : memref<128xi32, #tpu.memory_space<hbm>>) dst(%arg7 : memref<128xi32, #tpu.memory_space<vmem>>)
      tpu.yield
    }) : () -> ()
    %run_scoped3A_37 = arith.constant 0 : i32
    "tpu.region"() ({
      %run_scoped3A_226 = tpu.sem_alloc : memref<!tpu.dma_semaphore, #tpu.memory_space<semaphore_mem>>
      %dma_start3A_227 = tpu.memref_slice %arg4[%select_n3A, %run_scoped3A_37, %mul3A_36] : memref<4x1x1024xf32, #tpu.memory_space<hbm>> -> memref<1x1x128xf32, #tpu.memory_space<hbm>>
      %dma_start3A_228 = tpu.memref_squeeze %dma_start3A_227 : memref<1x1x128xf32, #tpu.memory_space<hbm>> -> memref<128xf32, #tpu.memory_space<hbm>>
      %dma_start3A_229 = tpu.memref_slice %arg4[%select_n3A, %run_scoped3A_37, %mul3A_36] : memref<4x1x1024xf32, #tpu.memory_space<hbm>> -> memref<1x1x128xf32, #tpu.memory_space<hbm>>
      %dma_start3A_230 = tpu.memref_squeeze %dma_start3A_229 : memref<1x1x128xf32, #tpu.memory_space<hbm>> -> memref<128xf32, #tpu.memory_space<hbm>>
      tpu.enqueue_dma source(%dma_start3A_230 : memref<128xf32, #tpu.memory_space<hbm>>) target(%arg12 : memref<128xf32, #tpu.memory_space<vmem>>) target_semaphore(%run_scoped3A_226 : memref<!tpu.dma_semaphore, #tpu.memory_space<semaphore_mem>>)
      %dma_wait3A_231 = tpu.memref_slice %arg4[%select_n3A, %run_scoped3A_37, %mul3A_36] : memref<4x1x1024xf32, #tpu.memory_space<hbm>> -> memref<1x1x128xf32, #tpu.memory_space<hbm>>
      %dma_wait3A_232 = tpu.memref_squeeze %dma_wait3A_231 : memref<1x1x128xf32, #tpu.memory_space<hbm>> -> memref<128xf32, #tpu.memory_space<hbm>>
      %dma_wait3A_233 = tpu.memref_slice %arg4[%select_n3A, %run_scoped3A_37, %mul3A_36] : memref<4x1x1024xf32, #tpu.memory_space<hbm>> -> memref<1x1x128xf32, #tpu.memory_space<hbm>>
      %dma_wait3A_234 = tpu.memref_squeeze %dma_wait3A_233 : memref<1x1x128xf32, #tpu.memory_space<hbm>> -> memref<128xf32, #tpu.memory_space<hbm>>
      tpu.wait_dma2 semaphore(%run_scoped3A_226 : memref<!tpu.dma_semaphore, #tpu.memory_space<semaphore_mem>>) src(%dma_wait3A_234 : memref<128xf32, #tpu.memory_space<hbm>>) dst(%arg12 : memref<128xf32, #tpu.memory_space<vmem>>)
      tpu.yield
    }) : () -> ()
    %run_scoped3A_38 = arith.constant 0 : i32
    "tpu.region"() ({
      %run_scoped3A_226 = tpu.sem_alloc : memref<!tpu.dma_semaphore, #tpu.memory_space<semaphore_mem>>
      %dma_start3A_227 = tpu.memref_slice %arg5[%select_n3A, %run_scoped3A_38, %mul3A_36] : memref<4x1x1024xf32, #tpu.memory_space<hbm>> -> memref<1x1x128xf32, #tpu.memory_space<hbm>>
      %dma_start3A_228 = tpu.memref_squeeze %dma_start3A_227 : memref<1x1x128xf32, #tpu.memory_space<hbm>> -> memref<128xf32, #tpu.memory_space<hbm>>
      %dma_start3A_229 = tpu.memref_slice %arg5[%select_n3A, %run_scoped3A_38, %mul3A_36] : memref<4x1x1024xf32, #tpu.memory_space<hbm>> -> memref<1x1x128xf32, #tpu.memory_space<hbm>>
      %dma_start3A_230 = tpu.memref_squeeze %dma_start3A_229 : memref<1x1x128xf32, #tpu.memory_space<hbm>> -> memref<128xf32, #tpu.memory_space<hbm>>
      tpu.enqueue_dma source(%dma_start3A_230 : memref<128xf32, #tpu.memory_space<hbm>>) target(%arg13 : memref<128xf32, #tpu.memory_space<vmem>>) target_semaphore(%run_scoped3A_226 : memref<!tpu.dma_semaphore, #tpu.memory_space<semaphore_mem>>)
      %dma_wait3A_231 = tpu.memref_slice %arg5[%select_n3A, %run_scoped3A_38, %mul3A_36] : memref<4x1x1024xf32, #tpu.memory_space<hbm>> -> memref<1x1x128xf32, #tpu.memory_space<hbm>>
      %dma_wait3A_232 = tpu.memref_squeeze %dma_wait3A_231 : memref<1x1x128xf32, #tpu.memory_space<hbm>> -> memref<128xf32, #tpu.memory_space<hbm>>
      %dma_wait3A_233 = tpu.memref_slice %arg5[%select_n3A, %run_scoped3A_38, %mul3A_36] : memref<4x1x1024xf32, #tpu.memory_space<hbm>> -> memref<1x1x128xf32, #tpu.memory_space<hbm>>
      %dma_wait3A_234 = tpu.memref_squeeze %dma_wait3A_233 : memref<1x1x128xf32, #tpu.memory_space<hbm>> -> memref<128xf32, #tpu.memory_space<hbm>>
      tpu.wait_dma2 semaphore(%run_scoped3A_226 : memref<!tpu.dma_semaphore, #tpu.memory_space<semaphore_mem>>) src(%dma_wait3A_234 : memref<128xf32, #tpu.memory_space<hbm>>) dst(%arg13 : memref<128xf32, #tpu.memory_space<vmem>>)
      tpu.yield
    }) : () -> ()
    %iota3A = tpu.iota {dimensions = array<i32: 0>} : vector<16xi32>
    %add3A_39 = arith.constant 0 : i32
    %add3A_40 = arith.addi %add3A_4, %add3A_39 : i32
    %dma_start3A = arith.constant 0 : i32
    %dma_start3A_41 = tpu.memref_slice %arg2[%add3A_40, %dma_start3A] : memref<16384x1024xf32, #tpu.memory_space<hbm>> -> memref<16x1024xf32, #tpu.memory_space<hbm>>
    %dma_start3A_42 = arith.constant 0 : i32
    %dma_start3A_43 = tpu.memref_slice %arg2[%add3A_40, %dma_start3A_42] : memref<16384x1024xf32, #tpu.memory_space<hbm>> -> memref<16x1024xf32, #tpu.memory_space<hbm>>
    tpu.enqueue_dma source(%dma_start3A_43 : memref<16x1024xf32, #tpu.memory_space<hbm>>) target(%arg8 : memref<16x1024xf32, #tpu.memory_space<vmem>>) target_semaphore(%arg15 : memref<!tpu.dma_semaphore, #tpu.memory_space<semaphore_mem>>)
    %add3A_44 = arith.constant 16 : i32
    %add3A_45 = arith.addi %add3A_4, %add3A_44 : i32
    %dma_start3A_46 = arith.constant 0 : i32
    %dma_start3A_47 = tpu.memref_slice %arg2[%add3A_45, %dma_start3A_46] : memref<16384x1024xf32, #tpu.memory_space<hbm>> -> memref<16x1024xf32, #tpu.memory_space<hbm>>
    %dma_start3A_48 = arith.constant 0 : i32
    %dma_start3A_49 = tpu.memref_slice %arg2[%add3A_45, %dma_start3A_48] : memref<16384x1024xf32, #tpu.memory_space<hbm>> -> memref<16x1024xf32, #tpu.memory_space<hbm>>
    tpu.enqueue_dma source(%dma_start3A_49 : memref<16x1024xf32, #tpu.memory_space<hbm>>) target(%arg9 : memref<16x1024xf32, #tpu.memory_space<vmem>>) target_semaphore(%arg16 : memref<!tpu.dma_semaphore, #tpu.memory_space<semaphore_mem>>)
    %add3A_50 = arith.constant 32 : i32
    %add3A_51 = arith.addi %add3A_4, %add3A_50 : i32
    %dma_start3A_52 = arith.constant 0 : i32
    %dma_start3A_53 = tpu.memref_slice %arg2[%add3A_51, %dma_start3A_52] : memref<16384x1024xf32, #tpu.memory_space<hbm>> -> memref<16x1024xf32, #tpu.memory_space<hbm>>
    %dma_start3A_54 = arith.constant 0 : i32
    %dma_start3A_55 = tpu.memref_slice %arg2[%add3A_51, %dma_start3A_54] : memref<16384x1024xf32, #tpu.memory_space<hbm>> -> memref<16x1024xf32, #tpu.memory_space<hbm>>
    tpu.enqueue_dma source(%dma_start3A_55 : memref<16x1024xf32, #tpu.memory_space<hbm>>) target(%arg10 : memref<16x1024xf32, #tpu.memory_space<vmem>>) target_semaphore(%arg17 : memref<!tpu.dma_semaphore, #tpu.memory_space<semaphore_mem>>)
    %add3A_56 = arith.constant 48 : i32
    %add3A_57 = arith.addi %add3A_4, %add3A_56 : i32
    %dma_start3A_58 = arith.constant 0 : i32
    %dma_start3A_59 = tpu.memref_slice %arg2[%add3A_57, %dma_start3A_58] : memref<16384x1024xf32, #tpu.memory_space<hbm>> -> memref<16x1024xf32, #tpu.memory_space<hbm>>
    %dma_start3A_60 = arith.constant 0 : i32
    %dma_start3A_61 = tpu.memref_slice %arg2[%add3A_57, %dma_start3A_60] : memref<16384x1024xf32, #tpu.memory_space<hbm>> -> memref<16x1024xf32, #tpu.memory_space<hbm>>
    tpu.enqueue_dma source(%dma_start3A_61 : memref<16x1024xf32, #tpu.memory_space<hbm>>) target(%arg11 : memref<16x1024xf32, #tpu.memory_space<vmem>>) target_semaphore(%arg18 : memref<!tpu.dma_semaphore, #tpu.memory_space<semaphore_mem>>)
    %dma_wait3A = arith.constant 0 : i32
    %dma_wait3A_62 = tpu.memref_slice %arg2[%add3A_40, %dma_wait3A] : memref<16384x1024xf32, #tpu.memory_space<hbm>> -> memref<16x1024xf32, #tpu.memory_space<hbm>>
    %dma_wait3A_63 = arith.constant 0 : i32
    %dma_wait3A_64 = tpu.memref_slice %arg2[%add3A_40, %dma_wait3A_63] : memref<16384x1024xf32, #tpu.memory_space<hbm>> -> memref<16x1024xf32, #tpu.memory_space<hbm>>
    tpu.wait_dma2 semaphore(%arg15 : memref<!tpu.dma_semaphore, #tpu.memory_space<semaphore_mem>>) src(%dma_wait3A_64 : memref<16x1024xf32, #tpu.memory_space<hbm>>) dst(%arg8 : memref<16x1024xf32, #tpu.memory_space<vmem>>)
    %get3A = arith.constant 0 : index
    %get3A_65 = tpu.vector_load %arg7[%get3A] {strides = array<i32>} : memref<128xi32, #tpu.memory_space<vmem>>, vector<16xi32>,
    %add3A_66 = arith.constant 0 : i32
    %add3A_67 = vector.broadcast %add3A_66 : i32 to vector<16xi32>
    %add3A_68 = arith.addi %iota3A, %add3A_67 : vector<16xi32>
    %gather3A = tpu.vector_load_idx %arg8[%add3A_68, %get3A_65] : memref<16x1024xf32, #tpu.memory_space<vmem>>[vector<16xi32>, vector<16xi32>], vector<16xf32>,
    %get3A_69 = arith.constant 0 : index
    %get3A_70 = tpu.vector_load %arg12[%get3A_69] {strides = array<i32>} : memref<128xf32, #tpu.memory_space<vmem>>, vector<16xf32>,
    %mul3A_71 = arith.mulf %gather3A, %get3A_70 : vector<16xf32>
    %get3A_72 = arith.constant 0 : index
    %get3A_73 = tpu.vector_load %arg13[%get3A_72] {strides = array<i32>} : memref<128xf32, #tpu.memory_space<vmem>>, vector<16xf32>,
    %add3A_74 = arith.addf %mul3A_71, %get3A_73 : vector<16xf32>
    %swap3A = arith.constant 0 : index
    %swap3A_75 = tpu.vector_load %arg14[%swap3A] {strides = array<i32>} : memref<128xf32, #tpu.memory_space<vmem>>, vector<16xf32>,
    tpu.vector_store %arg14[%swap3A], %add3A_74 {strides = array<i32>} : memref<128xf32, #tpu.memory_space<vmem>>, vector<16xf32>,
    %add3A_76 = arith.constant 64 : i32
    %add3A_77 = arith.addi %add3A_4, %add3A_76 : i32
    %dma_start3A_78 = arith.constant 0 : i32
    %dma_start3A_79 = tpu.memref_slice %arg2[%add3A_77, %dma_start3A_78] : memref<16384x1024xf32, #tpu.memory_space<hbm>> -> memref<16x1024xf32, #tpu.memory_space<hbm>>
    %dma_start3A_80 = arith.constant 0 : i32
    %dma_start3A_81 = tpu.memref_slice %arg2[%add3A_77, %dma_start3A_80] : memref<16384x1024xf32, #tpu.memory_space<hbm>> -> memref<16x1024xf32, #tpu.memory_space<hbm>>
    tpu.enqueue_dma source(%dma_start3A_81 : memref<16x1024xf32, #tpu.memory_space<hbm>>) target(%arg8 : memref<16x1024xf32, #tpu.memory_space<vmem>>) target_semaphore(%arg15 : memref<!tpu.dma_semaphore, #tpu.memory_space<semaphore_mem>>)
    %dma_wait3A_82 = arith.constant 0 : i32
    %dma_wait3A_83 = tpu.memref_slice %arg2[%add3A_45, %dma_wait3A_82] : memref<16384x1024xf32, #tpu.memory_space<hbm>> -> memref<16x1024xf32, #tpu.memory_space<hbm>>
    %dma_wait3A_84 = arith.constant 0 : i32
    %dma_wait3A_85 = tpu.memref_slice %arg2[%add3A_45, %dma_wait3A_84] : memref<16384x1024xf32, #tpu.memory_space<hbm>> -> memref<16x1024xf32, #tpu.memory_space<hbm>>
    tpu.wait_dma2 semaphore(%arg16 : memref<!tpu.dma_semaphore, #tpu.memory_space<semaphore_mem>>) src(%dma_wait3A_85 : memref<16x1024xf32, #tpu.memory_space<hbm>>) dst(%arg9 : memref<16x1024xf32, #tpu.memory_space<vmem>>)
    %get3A_86 = arith.constant 16 : index
    %get3A_87 = tpu.vector_load %arg7[%get3A_86] {strides = array<i32>} : memref<128xi32, #tpu.memory_space<vmem>>, vector<16xi32>,
    %add3A_88 = arith.constant 0 : i32
    %add3A_89 = vector.broadcast %add3A_88 : i32 to vector<16xi32>
    %add3A_90 = arith.addi %iota3A, %add3A_89 : vector<16xi32>
    %gather3A_91 = tpu.vector_load_idx %arg9[%add3A_90, %get3A_87] : memref<16x1024xf32, #tpu.memory_space<vmem>>[vector<16xi32>, vector<16xi32>], vector<16xf32>,
    %get3A_92 = arith.constant 16 : index
    %get3A_93 = tpu.vector_load %arg12[%get3A_92] {strides = array<i32>} : memref<128xf32, #tpu.memory_space<vmem>>, vector<16xf32>,
    %mul3A_94 = arith.mulf %gather3A_91, %get3A_93 : vector<16xf32>
    %get3A_95 = arith.constant 16 : index
    %get3A_96 = tpu.vector_load %arg13[%get3A_95] {strides = array<i32>} : memref<128xf32, #tpu.memory_space<vmem>>, vector<16xf32>,
    %add3A_97 = arith.addf %mul3A_94, %get3A_96 : vector<16xf32>
    %swap3A_98 = arith.constant 16 : index
    %swap3A_99 = tpu.vector_load %arg14[%swap3A_98] {strides = array<i32>} : memref<128xf32, #tpu.memory_space<vmem>>, vector<16xf32>,
    tpu.vector_store %arg14[%swap3A_98], %add3A_97 {strides = array<i32>} : memref<128xf32, #tpu.memory_space<vmem>>, vector<16xf32>,
    %add3A_100 = arith.constant 80 : i32
    %add3A_101 = arith.addi %add3A_4, %add3A_100 : i32
    %dma_start3A_102 = arith.constant 0 : i32
    %dma_start3A_103 = tpu.memref_slice %arg2[%add3A_101, %dma_start3A_102] : memref<16384x1024xf32, #tpu.memory_space<hbm>> -> memref<16x1024xf32, #tpu.memory_space<hbm>>
    %dma_start3A_104 = arith.constant 0 : i32
    %dma_start3A_105 = tpu.memref_slice %arg2[%add3A_101, %dma_start3A_104] : memref<16384x1024xf32, #tpu.memory_space<hbm>> -> memref<16x1024xf32, #tpu.memory_space<hbm>>
    tpu.enqueue_dma source(%dma_start3A_105 : memref<16x1024xf32, #tpu.memory_space<hbm>>) target(%arg9 : memref<16x1024xf32, #tpu.memory_space<vmem>>) target_semaphore(%arg16 : memref<!tpu.dma_semaphore, #tpu.memory_space<semaphore_mem>>)
    %dma_wait3A_106 = arith.constant 0 : i32
    %dma_wait3A_107 = tpu.memref_slice %arg2[%add3A_51, %dma_wait3A_106] : memref<16384x1024xf32, #tpu.memory_space<hbm>> -> memref<16x1024xf32, #tpu.memory_space<hbm>>
    %dma_wait3A_108 = arith.constant 0 : i32
    %dma_wait3A_109 = tpu.memref_slice %arg2[%add3A_51, %dma_wait3A_108] : memref<16384x1024xf32, #tpu.memory_space<hbm>> -> memref<16x1024xf32, #tpu.memory_space<hbm>>
    tpu.wait_dma2 semaphore(%arg17 : memref<!tpu.dma_semaphore, #tpu.memory_space<semaphore_mem>>) src(%dma_wait3A_109 : memref<16x1024xf32, #tpu.memory_space<hbm>>) dst(%arg10 : memref<16x1024xf32, #tpu.memory_space<vmem>>)
    %get3A_110 = arith.constant 32 : index
    %get3A_111 = tpu.vector_load %arg7[%get3A_110] {strides = array<i32>} : memref<128xi32, #tpu.memory_space<vmem>>, vector<16xi32>,
    %add3A_112 = arith.constant 0 : i32
    %add3A_113 = vector.broadcast %add3A_112 : i32 to vector<16xi32>
    %add3A_114 = arith.addi %iota3A, %add3A_113 : vector<16xi32>
    %gather3A_115 = tpu.vector_load_idx %arg10[%add3A_114, %get3A_111] : memref<16x1024xf32, #tpu.memory_space<vmem>>[vector<16xi32>, vector<16xi32>], vector<16xf32>,
    %get3A_116 = arith.constant 32 : index
    %get3A_117 = tpu.vector_load %arg12[%get3A_116] {strides = array<i32>} : memref<128xf32, #tpu.memory_space<vmem>>, vector<16xf32>,
    %mul3A_118 = arith.mulf %gather3A_115, %get3A_117 : vector<16xf32>
    %get3A_119 = arith.constant 32 : index
    %get3A_120 = tpu.vector_load %arg13[%get3A_119] {strides = array<i32>} : memref<128xf32, #tpu.memory_space<vmem>>, vector<16xf32>,
    %add3A_121 = arith.addf %mul3A_118, %get3A_120 : vector<16xf32>
    %swap3A_122 = arith.constant 32 : index
    %swap3A_123 = tpu.vector_load %arg14[%swap3A_122] {strides = array<i32>} : memref<128xf32, #tpu.memory_space<vmem>>, vector<16xf32>,
    tpu.vector_store %arg14[%swap3A_122], %add3A_121 {strides = array<i32>} : memref<128xf32, #tpu.memory_space<vmem>>, vector<16xf32>,
    %add3A_124 = arith.constant 96 : i32
    %add3A_125 = arith.addi %add3A_4, %add3A_124 : i32
    %dma_start3A_126 = arith.constant 0 : i32
    %dma_start3A_127 = tpu.memref_slice %arg2[%add3A_125, %dma_start3A_126] : memref<16384x1024xf32, #tpu.memory_space<hbm>> -> memref<16x1024xf32, #tpu.memory_space<hbm>>
    %dma_start3A_128 = arith.constant 0 : i32
    %dma_start3A_129 = tpu.memref_slice %arg2[%add3A_125, %dma_start3A_128] : memref<16384x1024xf32, #tpu.memory_space<hbm>> -> memref<16x1024xf32, #tpu.memory_space<hbm>>
    tpu.enqueue_dma source(%dma_start3A_129 : memref<16x1024xf32, #tpu.memory_space<hbm>>) target(%arg10 : memref<16x1024xf32, #tpu.memory_space<vmem>>) target_semaphore(%arg17 : memref<!tpu.dma_semaphore, #tpu.memory_space<semaphore_mem>>)
    %dma_wait3A_130 = arith.constant 0 : i32
    %dma_wait3A_131 = tpu.memref_slice %arg2[%add3A_57, %dma_wait3A_130] : memref<16384x1024xf32, #tpu.memory_space<hbm>> -> memref<16x1024xf32, #tpu.memory_space<hbm>>
    %dma_wait3A_132 = arith.constant 0 : i32
    %dma_wait3A_133 = tpu.memref_slice %arg2[%add3A_57, %dma_wait3A_132] : memref<16384x1024xf32, #tpu.memory_space<hbm>> -> memref<16x1024xf32, #tpu.memory_space<hbm>>
    tpu.wait_dma2 semaphore(%arg18 : memref<!tpu.dma_semaphore, #tpu.memory_space<semaphore_mem>>) src(%dma_wait3A_133 : memref<16x1024xf32, #tpu.memory_space<hbm>>) dst(%arg11 : memref<16x1024xf32, #tpu.memory_space<vmem>>)
    %get3A_134 = arith.constant 48 : index
    %get3A_135 = tpu.vector_load %arg7[%get3A_134] {strides = array<i32>} : memref<128xi32, #tpu.memory_space<vmem>>, vector<16xi32>,
    %add3A_136 = arith.constant 0 : i32
    %add3A_137 = vector.broadcast %add3A_136 : i32 to vector<16xi32>
    %add3A_138 = arith.addi %iota3A, %add3A_137 : vector<16xi32>
    %gather3A_139 = tpu.vector_load_idx %arg11[%add3A_138, %get3A_135] : memref<16x1024xf32, #tpu.memory_space<vmem>>[vector<16xi32>, vector<16xi32>], vector<16xf32>,
    %get3A_140 = arith.constant 48 : index
    %get3A_141 = tpu.vector_load %arg12[%get3A_140] {strides = array<i32>} : memref<128xf32, #tpu.memory_space<vmem>>, vector<16xf32>,
    %mul3A_142 = arith.mulf %gather3A_139, %get3A_141 : vector<16xf32>
    %get3A_143 = arith.constant 48 : index
    %get3A_144 = tpu.vector_load %arg13[%get3A_143] {strides = array<i32>} : memref<128xf32, #tpu.memory_space<vmem>>, vector<16xf32>,
    %add3A_145 = arith.addf %mul3A_142, %get3A_144 : vector<16xf32>
    %swap3A_146 = arith.constant 48 : index
    %swap3A_147 = tpu.vector_load %arg14[%swap3A_146] {strides = array<i32>} : memref<128xf32, #tpu.memory_space<vmem>>, vector<16xf32>,
    tpu.vector_store %arg14[%swap3A_146], %add3A_145 {strides = array<i32>} : memref<128xf32, #tpu.memory_space<vmem>>, vector<16xf32>,
    %add3A_148 = arith.constant 112 : i32
    %add3A_149 = arith.addi %add3A_4, %add3A_148 : i32
    %dma_start3A_150 = arith.constant 0 : i32
    %dma_start3A_151 = tpu.memref_slice %arg2[%add3A_149, %dma_start3A_150] : memref<16384x1024xf32, #tpu.memory_space<hbm>> -> memref<16x1024xf32, #tpu.memory_space<hbm>>
    %dma_start3A_152 = arith.constant 0 : i32
    %dma_start3A_153 = tpu.memref_slice %arg2[%add3A_149, %dma_start3A_152] : memref<16384x1024xf32, #tpu.memory_space<hbm>> -> memref<16x1024xf32, #tpu.memory_space<hbm>>
    tpu.enqueue_dma source(%dma_start3A_153 : memref<16x1024xf32, #tpu.memory_space<hbm>>) target(%arg11 : memref<16x1024xf32, #tpu.memory_space<vmem>>) target_semaphore(%arg18 : memref<!tpu.dma_semaphore, #tpu.memory_space<semaphore_mem>>)
    %dma_wait3A_154 = arith.constant 0 : i32
    %dma_wait3A_155 = tpu.memref_slice %arg2[%add3A_77, %dma_wait3A_154] : memref<16384x1024xf32, #tpu.memory_space<hbm>> -> memref<16x1024xf32, #tpu.memory_space<hbm>>
    %dma_wait3A_156 = arith.constant 0 : i32
    %dma_wait3A_157 = tpu.memref_slice %arg2[%add3A_77, %dma_wait3A_156] : memref<16384x1024xf32, #tpu.memory_space<hbm>> -> memref<16x1024xf32, #tpu.memory_space<hbm>>
    tpu.wait_dma2 semaphore(%arg15 : memref<!tpu.dma_semaphore, #tpu.memory_space<semaphore_mem>>) src(%dma_wait3A_157 : memref<16x1024xf32, #tpu.memory_space<hbm>>) dst(%arg8 : memref<16x1024xf32, #tpu.memory_space<vmem>>)
    %get3A_158 = arith.constant 64 : index
    %get3A_159 = tpu.vector_load %arg7[%get3A_158] {strides = array<i32>} : memref<128xi32, #tpu.memory_space<vmem>>, vector<16xi32>,
    %add3A_160 = arith.constant 0 : i32
    %add3A_161 = vector.broadcast %add3A_160 : i32 to vector<16xi32>
    %add3A_162 = arith.addi %iota3A, %add3A_161 : vector<16xi32>
    %gather3A_163 = tpu.vector_load_idx %arg8[%add3A_162, %get3A_159] : memref<16x1024xf32, #tpu.memory_space<vmem>>[vector<16xi32>, vector<16xi32>], vector<16xf32>,
    %get3A_164 = arith.constant 64 : index
    %get3A_165 = tpu.vector_load %arg12[%get3A_164] {strides = array<i32>} : memref<128xf32, #tpu.memory_space<vmem>>, vector<16xf32>,
    %mul3A_166 = arith.mulf %gather3A_163, %get3A_165 : vector<16xf32>
    %get3A_167 = arith.constant 64 : index
    %get3A_168 = tpu.vector_load %arg13[%get3A_167] {strides = array<i32>} : memref<128xf32, #tpu.memory_space<vmem>>, vector<16xf32>,
    %add3A_169 = arith.addf %mul3A_166, %get3A_168 : vector<16xf32>
    %swap3A_170 = arith.constant 64 : index
    %swap3A_171 = tpu.vector_load %arg14[%swap3A_170] {strides = array<i32>} : memref<128xf32, #tpu.memory_space<vmem>>, vector<16xf32>,
    tpu.vector_store %arg14[%swap3A_170], %add3A_169 {strides = array<i32>} : memref<128xf32, #tpu.memory_space<vmem>>, vector<16xf32>,
    %dma_wait3A_172 = arith.constant 0 : i32
    %dma_wait3A_173 = tpu.memref_slice %arg2[%add3A_101, %dma_wait3A_172] : memref<16384x1024xf32, #tpu.memory_space<hbm>> -> memref<16x1024xf32, #tpu.memory_space<hbm>>
    %dma_wait3A_174 = arith.constant 0 : i32
    %dma_wait3A_175 = tpu.memref_slice %arg2[%add3A_101, %dma_wait3A_174] : memref<16384x1024xf32, #tpu.memory_space<hbm>> -> memref<16x1024xf32, #tpu.memory_space<hbm>>
    tpu.wait_dma2 semaphore(%arg16 : memref<!tpu.dma_semaphore, #tpu.memory_space<semaphore_mem>>) src(%dma_wait3A_175 : memref<16x1024xf32, #tpu.memory_space<hbm>>) dst(%arg9 : memref<16x1024xf32, #tpu.memory_space<vmem>>)
    %get3A_176 = arith.constant 80 : index
    %get3A_177 = tpu.vector_load %arg7[%get3A_176] {strides = array<i32>} : memref<128xi32, #tpu.memory_space<vmem>>, vector<16xi32>,
    %add3A_178 = arith.constant 0 : i32
    %add3A_179 = vector.broadcast %add3A_178 : i32 to vector<16xi32>
    %add3A_180 = arith.addi %iota3A, %add3A_179 : vector<16xi32>
    %gather3A_181 = tpu.vector_load_idx %arg9[%add3A_180, %get3A_177] : memref<16x1024xf32, #tpu.memory_space<vmem>>[vector<16xi32>, vector<16xi32>], vector<16xf32>,
    %get3A_182 = arith.constant 80 : index
    %get3A_183 = tpu.vector_load %arg12[%get3A_182] {strides = array<i32>} : memref<128xf32, #tpu.memory_space<vmem>>, vector<16xf32>,
    %mul3A_184 = arith.mulf %gather3A_181, %get3A_183 : vector<16xf32>
    %get3A_185 = arith.constant 80 : index
    %get3A_186 = tpu.vector_load %arg13[%get3A_185] {strides = array<i32>} : memref<128xf32, #tpu.memory_space<vmem>>, vector<16xf32>,
    %add3A_187 = arith.addf %mul3A_184, %get3A_186 : vector<16xf32>
    %swap3A_188 = arith.constant 80 : index
    %swap3A_189 = tpu.vector_load %arg14[%swap3A_188] {strides = array<i32>} : memref<128xf32, #tpu.memory_space<vmem>>, vector<16xf32>,
    tpu.vector_store %arg14[%swap3A_188], %add3A_187 {strides = array<i32>} : memref<128xf32, #tpu.memory_space<vmem>>, vector<16xf32>,
    %dma_wait3A_190 = arith.constant 0 : i32
    %dma_wait3A_191 = tpu.memref_slice %arg2[%add3A_125, %dma_wait3A_190] : memref<16384x1024xf32, #tpu.memory_space<hbm>> -> memref<16x1024xf32, #tpu.memory_space<hbm>>
    %dma_wait3A_192 = arith.constant 0 : i32
    %dma_wait3A_193 = tpu.memref_slice %arg2[%add3A_125, %dma_wait3A_192] : memref<16384x1024xf32, #tpu.memory_space<hbm>> -> memref<16x1024xf32, #tpu.memory_space<hbm>>
    tpu.wait_dma2 semaphore(%arg17 : memref<!tpu.dma_semaphore, #tpu.memory_space<semaphore_mem>>) src(%dma_wait3A_193 : memref<16x1024xf32, #tpu.memory_space<hbm>>) dst(%arg10 : memref<16x1024xf32, #tpu.memory_space<vmem>>)
    %get3A_194 = arith.constant 96 : index
    %get3A_195 = tpu.vector_load %arg7[%get3A_194] {strides = array<i32>} : memref<128xi32, #tpu.memory_space<vmem>>, vector<16xi32>,
    %add3A_196 = arith.constant 0 : i32
    %add3A_197 = vector.broadcast %add3A_196 : i32 to vector<16xi32>
    %add3A_198 = arith.addi %iota3A, %add3A_197 : vector<16xi32>
    %gather3A_199 = tpu.vector_load_idx %arg10[%add3A_198, %get3A_195] : memref<16x1024xf32, #tpu.memory_space<vmem>>[vector<16xi32>, vector<16xi32>], vector<16xf32>,
    %get3A_200 = arith.constant 96 : index
    %get3A_201 = tpu.vector_load %arg12[%get3A_200] {strides = array<i32>} : memref<128xf32, #tpu.memory_space<vmem>>, vector<16xf32>,
    %mul3A_202 = arith.mulf %gather3A_199, %get3A_201 : vector<16xf32>
    %get3A_203 = arith.constant 96 : index
    %get3A_204 = tpu.vector_load %arg13[%get3A_203] {strides = array<i32>} : memref<128xf32, #tpu.memory_space<vmem>>, vector<16xf32>,
    %add3A_205 = arith.addf %mul3A_202, %get3A_204 : vector<16xf32>
    %swap3A_206 = arith.constant 96 : index
    %swap3A_207 = tpu.vector_load %arg14[%swap3A_206] {strides = array<i32>} : memref<128xf32, #tpu.memory_space<vmem>>, vector<16xf32>,
    tpu.vector_store %arg14[%swap3A_206], %add3A_205 {strides = array<i32>} : memref<128xf32, #tpu.memory_space<vmem>>, vector<16xf32>,
    %dma_wait3A_208 = arith.constant 0 : i32
    %dma_wait3A_209 = tpu.memref_slice %arg2[%add3A_149, %dma_wait3A_208] : memref<16384x1024xf32, #tpu.memory_space<hbm>> -> memref<16x1024xf32, #tpu.memory_space<hbm>>
    %dma_wait3A_210 = arith.constant 0 : i32
    %dma_wait3A_211 = tpu.memref_slice %arg2[%add3A_149, %dma_wait3A_210] : memref<16384x1024xf32, #tpu.memory_space<hbm>> -> memref<16x1024xf32, #tpu.memory_space<hbm>>
    tpu.wait_dma2 semaphore(%arg18 : memref<!tpu.dma_semaphore, #tpu.memory_space<semaphore_mem>>) src(%dma_wait3A_211 : memref<16x1024xf32, #tpu.memory_space<hbm>>) dst(%arg11 : memref<16x1024xf32, #tpu.memory_space<vmem>>)
    %get3A_212 = arith.constant 112 : index
    %get3A_213 = tpu.vector_load %arg7[%get3A_212] {strides = array<i32>} : memref<128xi32, #tpu.memory_space<vmem>>, vector<16xi32>,
    %add3A_214 = arith.constant 0 : i32
    %add3A_215 = vector.broadcast %add3A_214 : i32 to vector<16xi32>
    %add3A_216 = arith.addi %iota3A, %add3A_215 : vector<16xi32>
    %gather3A_217 = tpu.vector_load_idx %arg11[%add3A_216, %get3A_213] : memref<16x1024xf32, #tpu.memory_space<vmem>>[vector<16xi32>, vector<16xi32>], vector<16xf32>,
    %get3A_218 = arith.constant 112 : index
    %get3A_219 = tpu.vector_load %arg12[%get3A_218] {strides = array<i32>} : memref<128xf32, #tpu.memory_space<vmem>>, vector<16xf32>,
    %mul3A_220 = arith.mulf %gather3A_217, %get3A_219 : vector<16xf32>
    %get3A_221 = arith.constant 112 : index
    %get3A_222 = tpu.vector_load %arg13[%get3A_221] {strides = array<i32>} : memref<128xf32, #tpu.memory_space<vmem>>, vector<16xf32>,
    %add3A_223 = arith.addf %mul3A_220, %get3A_222 : vector<16xf32>
    %swap3A_224 = arith.constant 112 : index
    %swap3A_225 = tpu.vector_load %arg14[%swap3A_224] {strides = array<i32>} : memref<128xf32, #tpu.memory_space<vmem>>, vector<16xf32>,
    tpu.vector_store %arg14[%swap3A_224], %add3A_223 {strides = array<i32>} : memref<128xf32, #tpu.memory_space<vmem>>, vector<16xf32>,
    "tpu.region"() ({
      %run_scoped3A_226 = tpu.sem_alloc : memref<!tpu.dma_semaphore, #tpu.memory_space<semaphore_mem>>
      %dma_start3A_227 = tpu.memref_slice %arg6[%mul3A_2] : memref<4096xf32, #tpu.memory_space<hbm>> -> memref<128xf32, #tpu.memory_space<hbm>>
      %dma_start3A_228 = tpu.memref_slice %arg6[%mul3A_2] : memref<4096xf32, #tpu.memory_space<hbm>> -> memref<128xf32, #tpu.memory_space<hbm>>
      tpu.enqueue_dma source(%arg14 : memref<128xf32, #tpu.memory_space<vmem>>) target(%dma_start3A_228 : memref<128xf32, #tpu.memory_space<hbm>>) target_semaphore(%run_scoped3A_226 : memref<!tpu.dma_semaphore, #tpu.memory_space<semaphore_mem>>)
      %dma_wait3A_229 = tpu.memref_slice %arg6[%mul3A_2] : memref<4096xf32, #tpu.memory_space<hbm>> -> memref<128xf32, #tpu.memory_space<hbm>>
      %dma_wait3A_230 = tpu.memref_slice %arg6[%mul3A_2] : memref<4096xf32, #tpu.memory_space<hbm>> -> memref<128xf32, #tpu.memory_space<hbm>>
      tpu.wait_dma2 semaphore(%run_scoped3A_226 : memref<!tpu.dma_semaphore, #tpu.memory_space<semaphore_mem>>) src(%arg14 : memref<128xf32, #tpu.memory_space<vmem>>) dst(%dma_wait3A_230 : memref<128xf32, #tpu.memory_space<hbm>>)
      tpu.yield
    }) : () -> ()
    return
  }
}

#map = affine_map<(d0, d1) -> (0, 0)>
#map1 = affine_map<(d0, d1) -> (0, 0, 0)>
#map2 = affine_map<(d0, d1) -> (0)>
module attributes {stable_mosaic.version = 14 : i64} {
  func.func @_sc_body(%arg0: i32, %arg1: i32, %arg2: memref<16384x1024xf32, #tpu.memory_space<hbm>>, %arg3: memref<4x1x1024xi32, #tpu.memory_space<hbm>>, %arg4: memref<4x1x1024xf32, #tpu.memory_space<hbm>>, %arg5: memref<4x1x1024xf32, #tpu.memory_space<hbm>>, %arg6: memref<4096xf32, #tpu.memory_space<hbm>>, %arg7: memref<128xi32, #tpu.memory_space<vmem>>, %arg8: memref<16x1024xf32, #tpu.memory_space<vmem>>, %arg9: memref<16x1024xf32, #tpu.memory_space<vmem>>, %arg10: memref<16x1024xf32, #tpu.memory_space<vmem>>, %arg11: memref<16x1024xf32, #tpu.memory_space<vmem>>, %arg12: memref<128xf32, #tpu.memory_space<vmem>>, %arg13: memref<128xf32, #tpu.memory_space<vmem>>, %arg14: memref<128xf32, #tpu.memory_space<vmem>>, %arg15: memref<!tpu.dma_semaphore, #tpu.memory_space<semaphore_mem>>, %arg16: memref<!tpu.dma_semaphore, #tpu.memory_space<semaphore_mem>>, %arg17: memref<!tpu.dma_semaphore, #tpu.memory_space<semaphore_mem>>, %arg18: memref<!tpu.dma_semaphore, #tpu.memory_space<semaphore_mem>>) attributes {dimension_semantics = [#tpu.dimension_semantics<core_parallel>, #tpu.dimension_semantics<subcore_parallel>], iteration_bounds = array<i64: 2, 16>, scalar_prefetch = 0 : i64, scratch_operands = 12 : i64, tpu.core_type = #tpu.core_type<sc_vector_subcore>, window_params = [{transform_indices = #map}, {transform_indices = #map1}, {transform_indices = #map1}, {transform_indices = #map1}, {transform_indices = #map2}]} {
    %mul3A = arith.constant 2 : i32
    %mul3A_0 = arith.muli %arg1, %mul3A : i32
    %add3A = arith.addi %mul3A_0, %arg0 : i32
    %mul3A_1 = arith.constant 128 : i32
    %mul3A_2 = arith.muli %add3A, %mul3A_1 : i32
    %add3A_3 = arith.constant 4096 : i32
    %add3A_4 = arith.addi %add3A_3, %mul3A_2 : i32
    %jit3A = arith.constant 8 : i32
    %div3A = arith.divsi %add3A, %jit3A : i32
    %sign3A = arith.constant 0 : i32
    %sign3A_5 = arith.cmpi sgt, %add3A, %sign3A : i32
    %sign3A_6 = arith.extui %sign3A_5 : i1 to i32
    %sign3A_7 = arith.constant 0 : i32
    %sign3A_8 = arith.cmpi slt, %add3A, %sign3A_7 : i32
    %sign3A_9 = arith.extui %sign3A_8 : i1 to i32
    %sign3A_10 = arith.subi %sign3A_6, %sign3A_9 : i32
    %sign3A_11 = arith.constant 0 : i32
    %sign3A_12 = arith.cmpi sgt, %jit3A, %sign3A_11 : i32
    %sign3A_13 = arith.extui %sign3A_12 : i1 to i32
    %sign3A_14 = arith.constant 0 : i32
    %sign3A_15 = arith.cmpi slt, %jit3A, %sign3A_14 : i32
    %sign3A_16 = arith.extui %sign3A_15 : i1 to i32
    %sign3A_17 = arith.subi %sign3A_13, %sign3A_16 : i32
    %ne3A = arith.cmpi ne, %sign3A_10, %sign3A_17 : i32
    %rem3A = arith.remsi %add3A, %jit3A : i32
    %ne3A_18 = arith.constant 0 : i32
    %ne3A_19 = arith.cmpi ne, %rem3A, %ne3A_18 : i32
    %and3A = arith.andi %ne3A, %ne3A_19 : i1
    %sub3A = arith.constant 1 : i32
    %sub3A_20 = arith.subi %div3A, %sub3A : i32
    %select_n3A = arith.select %and3A, %sub3A_20, %div3A : i32
    %jit3A_21 = arith.constant 8 : i32
    %eq3A = arith.constant 0 : i32
    %eq3A_22 = arith.cmpi eq, %jit3A_21, %eq3A : i32
    %jit3A_23 = arith.constant 1 : i32
    %select_n3A_24 = arith.select %eq3A_22, %jit3A_23, %jit3A_21 : i32
    %rem3A_25 = arith.remsi %add3A, %select_n3A_24 : i32
    %ne3A_26 = arith.constant 0 : i32
    %ne3A_27 = arith.cmpi ne, %rem3A_25, %ne3A_26 : i32
    %lt3A = arith.constant 0 : i32
    %lt3A_28 = arith.cmpi slt, %rem3A_25, %lt3A : i32
    %lt3A_29 = arith.constant 0 : i32
    %lt3A_30 = arith.cmpi slt, %select_n3A_24, %lt3A_29 : i32
    %ne3A_31 = arith.xori %lt3A_28, %lt3A_30 : i1
    %and3A_32 = arith.andi %ne3A_31, %ne3A_27 : i1
    %add3A_33 = arith.addi %rem3A_25, %select_n3A_24 : i32
    %select_n3A_34 = arith.select %and3A_32, %add3A_33, %rem3A_25 : i32
    %mul3A_35 = arith.constant 128 : i32
    %mul3A_36 = arith.muli %select_n3A_34, %mul3A_35 : i32
    %run_scoped3A = arith.constant 0 : i32
    "tpu.region"() ({
      %run_scoped3A_226 = tpu.sem_alloc : memref<!tpu.dma_semaphore, #tpu.memory_space<semaphore_mem>>
      %dma_start3A_227 = tpu.memref_slice %arg3[%select_n3A, %run_scoped3A, %mul3A_36] : memref<4x1x1024xi32, #tpu.memory_space<hbm>> -> memref<1x1x128xi32, #tpu.memory_space<hbm>>
      %dma_start3A_228 = tpu.memref_squeeze %dma_start3A_227 : memref<1x1x128xi32, #tpu.memory_space<hbm>> -> memref<128xi32, #tpu.memory_space<hbm>>
      %dma_start3A_229 = tpu.memref_slice %arg3[%select_n3A, %run_scoped3A, %mul3A_36] : memref<4x1x1024xi32, #tpu.memory_space<hbm>> -> memref<1x1x128xi32, #tpu.memory_space<hbm>>
      %dma_start3A_230 = tpu.memref_squeeze %dma_start3A_229 : memref<1x1x128xi32, #tpu.memory_space<hbm>> -> memref<128xi32, #tpu.memory_space<hbm>>
      tpu.enqueue_dma source(%dma_start3A_230 : memref<128xi32, #tpu.memory_space<hbm>>) target(%arg7 : memref<128xi32, #tpu.memory_space<vmem>>) target_semaphore(%run_scoped3A_226 : memref<!tpu.dma_semaphore, #tpu.memory_space<semaphore_mem>>)
      %dma_wait3A_231 = tpu.memref_slice %arg3[%select_n3A, %run_scoped3A, %mul3A_36] : memref<4x1x1024xi32, #tpu.memory_space<hbm>> -> memref<1x1x128xi32, #tpu.memory_space<hbm>>
      %dma_wait3A_232 = tpu.memref_squeeze %dma_wait3A_231 : memref<1x1x128xi32, #tpu.memory_space<hbm>> -> memref<128xi32, #tpu.memory_space<hbm>>
      %dma_wait3A_233 = tpu.memref_slice %arg3[%select_n3A, %run_scoped3A, %mul3A_36] : memref<4x1x1024xi32, #tpu.memory_space<hbm>> -> memref<1x1x128xi32, #tpu.memory_space<hbm>>
      %dma_wait3A_234 = tpu.memref_squeeze %dma_wait3A_233 : memref<1x1x128xi32, #tpu.memory_space<hbm>> -> memref<128xi32, #tpu.memory_space<hbm>>
      tpu.wait_dma2 semaphore(%run_scoped3A_226 : memref<!tpu.dma_semaphore, #tpu.memory_space<semaphore_mem>>) src(%dma_wait3A_234 : memref<128xi32, #tpu.memory_space<hbm>>) dst(%arg7 : memref<128xi32, #tpu.memory_space<vmem>>)
      tpu.yield
    }) : () -> ()
    %run_scoped3A_37 = arith.constant 0 : i32
    "tpu.region"() ({
      %run_scoped3A_226 = tpu.sem_alloc : memref<!tpu.dma_semaphore, #tpu.memory_space<semaphore_mem>>
      %dma_start3A_227 = tpu.memref_slice %arg4[%select_n3A, %run_scoped3A_37, %mul3A_36] : memref<4x1x1024xf32, #tpu.memory_space<hbm>> -> memref<1x1x128xf32, #tpu.memory_space<hbm>>
      %dma_start3A_228 = tpu.memref_squeeze %dma_start3A_227 : memref<1x1x128xf32, #tpu.memory_space<hbm>> -> memref<128xf32, #tpu.memory_space<hbm>>
      %dma_start3A_229 = tpu.memref_slice %arg4[%select_n3A, %run_scoped3A_37, %mul3A_36] : memref<4x1x1024xf32, #tpu.memory_space<hbm>> -> memref<1x1x128xf32, #tpu.memory_space<hbm>>
      %dma_start3A_230 = tpu.memref_squeeze %dma_start3A_229 : memref<1x1x128xf32, #tpu.memory_space<hbm>> -> memref<128xf32, #tpu.memory_space<hbm>>
      tpu.enqueue_dma source(%dma_start3A_230 : memref<128xf32, #tpu.memory_space<hbm>>) target(%arg12 : memref<128xf32, #tpu.memory_space<vmem>>) target_semaphore(%run_scoped3A_226 : memref<!tpu.dma_semaphore, #tpu.memory_space<semaphore_mem>>)
      %dma_wait3A_231 = tpu.memref_slice %arg4[%select_n3A, %run_scoped3A_37, %mul3A_36] : memref<4x1x1024xf32, #tpu.memory_space<hbm>> -> memref<1x1x128xf32, #tpu.memory_space<hbm>>
      %dma_wait3A_232 = tpu.memref_squeeze %dma_wait3A_231 : memref<1x1x128xf32, #tpu.memory_space<hbm>> -> memref<128xf32, #tpu.memory_space<hbm>>
      %dma_wait3A_233 = tpu.memref_slice %arg4[%select_n3A, %run_scoped3A_37, %mul3A_36] : memref<4x1x1024xf32, #tpu.memory_space<hbm>> -> memref<1x1x128xf32, #tpu.memory_space<hbm>>
      %dma_wait3A_234 = tpu.memref_squeeze %dma_wait3A_233 : memref<1x1x128xf32, #tpu.memory_space<hbm>> -> memref<128xf32, #tpu.memory_space<hbm>>
      tpu.wait_dma2 semaphore(%run_scoped3A_226 : memref<!tpu.dma_semaphore, #tpu.memory_space<semaphore_mem>>) src(%dma_wait3A_234 : memref<128xf32, #tpu.memory_space<hbm>>) dst(%arg12 : memref<128xf32, #tpu.memory_space<vmem>>)
      tpu.yield
    }) : () -> ()
    %run_scoped3A_38 = arith.constant 0 : i32
    "tpu.region"() ({
      %run_scoped3A_226 = tpu.sem_alloc : memref<!tpu.dma_semaphore, #tpu.memory_space<semaphore_mem>>
      %dma_start3A_227 = tpu.memref_slice %arg5[%select_n3A, %run_scoped3A_38, %mul3A_36] : memref<4x1x1024xf32, #tpu.memory_space<hbm>> -> memref<1x1x128xf32, #tpu.memory_space<hbm>>
      %dma_start3A_228 = tpu.memref_squeeze %dma_start3A_227 : memref<1x1x128xf32, #tpu.memory_space<hbm>> -> memref<128xf32, #tpu.memory_space<hbm>>
      %dma_start3A_229 = tpu.memref_slice %arg5[%select_n3A, %run_scoped3A_38, %mul3A_36] : memref<4x1x1024xf32, #tpu.memory_space<hbm>> -> memref<1x1x128xf32, #tpu.memory_space<hbm>>
      %dma_start3A_230 = tpu.memref_squeeze %dma_start3A_229 : memref<1x1x128xf32, #tpu.memory_space<hbm>> -> memref<128xf32, #tpu.memory_space<hbm>>
      tpu.enqueue_dma source(%dma_start3A_230 : memref<128xf32, #tpu.memory_space<hbm>>) target(%arg13 : memref<128xf32, #tpu.memory_space<vmem>>) target_semaphore(%run_scoped3A_226 : memref<!tpu.dma_semaphore, #tpu.memory_space<semaphore_mem>>)
      %dma_wait3A_231 = tpu.memref_slice %arg5[%select_n3A, %run_scoped3A_38, %mul3A_36] : memref<4x1x1024xf32, #tpu.memory_space<hbm>> -> memref<1x1x128xf32, #tpu.memory_space<hbm>>
      %dma_wait3A_232 = tpu.memref_squeeze %dma_wait3A_231 : memref<1x1x128xf32, #tpu.memory_space<hbm>> -> memref<128xf32, #tpu.memory_space<hbm>>
      %dma_wait3A_233 = tpu.memref_slice %arg5[%select_n3A, %run_scoped3A_38, %mul3A_36] : memref<4x1x1024xf32, #tpu.memory_space<hbm>> -> memref<1x1x128xf32, #tpu.memory_space<hbm>>
      %dma_wait3A_234 = tpu.memref_squeeze %dma_wait3A_233 : memref<1x1x128xf32, #tpu.memory_space<hbm>> -> memref<128xf32, #tpu.memory_space<hbm>>
      tpu.wait_dma2 semaphore(%run_scoped3A_226 : memref<!tpu.dma_semaphore, #tpu.memory_space<semaphore_mem>>) src(%dma_wait3A_234 : memref<128xf32, #tpu.memory_space<hbm>>) dst(%arg13 : memref<128xf32, #tpu.memory_space<vmem>>)
      tpu.yield
    }) : () -> ()
    %iota3A = tpu.iota {dimensions = array<i32: 0>} : vector<16xi32>
    %add3A_39 = arith.constant 0 : i32
    %add3A_40 = arith.addi %add3A_4, %add3A_39 : i32
    %dma_start3A = arith.constant 0 : i32
    %dma_start3A_41 = tpu.memref_slice %arg2[%add3A_40, %dma_start3A] : memref<16384x1024xf32, #tpu.memory_space<hbm>> -> memref<16x1024xf32, #tpu.memory_space<hbm>>
    %dma_start3A_42 = arith.constant 0 : i32
    %dma_start3A_43 = tpu.memref_slice %arg2[%add3A_40, %dma_start3A_42] : memref<16384x1024xf32, #tpu.memory_space<hbm>> -> memref<16x1024xf32, #tpu.memory_space<hbm>>
    tpu.enqueue_dma source(%dma_start3A_43 : memref<16x1024xf32, #tpu.memory_space<hbm>>) target(%arg8 : memref<16x1024xf32, #tpu.memory_space<vmem>>) target_semaphore(%arg15 : memref<!tpu.dma_semaphore, #tpu.memory_space<semaphore_mem>>)
    %add3A_44 = arith.constant 16 : i32
    %add3A_45 = arith.addi %add3A_4, %add3A_44 : i32
    %dma_start3A_46 = arith.constant 0 : i32
    %dma_start3A_47 = tpu.memref_slice %arg2[%add3A_45, %dma_start3A_46] : memref<16384x1024xf32, #tpu.memory_space<hbm>> -> memref<16x1024xf32, #tpu.memory_space<hbm>>
    %dma_start3A_48 = arith.constant 0 : i32
    %dma_start3A_49 = tpu.memref_slice %arg2[%add3A_45, %dma_start3A_48] : memref<16384x1024xf32, #tpu.memory_space<hbm>> -> memref<16x1024xf32, #tpu.memory_space<hbm>>
    tpu.enqueue_dma source(%dma_start3A_49 : memref<16x1024xf32, #tpu.memory_space<hbm>>) target(%arg9 : memref<16x1024xf32, #tpu.memory_space<vmem>>) target_semaphore(%arg16 : memref<!tpu.dma_semaphore, #tpu.memory_space<semaphore_mem>>)
    %add3A_50 = arith.constant 32 : i32
    %add3A_51 = arith.addi %add3A_4, %add3A_50 : i32
    %dma_start3A_52 = arith.constant 0 : i32
    %dma_start3A_53 = tpu.memref_slice %arg2[%add3A_51, %dma_start3A_52] : memref<16384x1024xf32, #tpu.memory_space<hbm>> -> memref<16x1024xf32, #tpu.memory_space<hbm>>
    %dma_start3A_54 = arith.constant 0 : i32
    %dma_start3A_55 = tpu.memref_slice %arg2[%add3A_51, %dma_start3A_54] : memref<16384x1024xf32, #tpu.memory_space<hbm>> -> memref<16x1024xf32, #tpu.memory_space<hbm>>
    tpu.enqueue_dma source(%dma_start3A_55 : memref<16x1024xf32, #tpu.memory_space<hbm>>) target(%arg10 : memref<16x1024xf32, #tpu.memory_space<vmem>>) target_semaphore(%arg17 : memref<!tpu.dma_semaphore, #tpu.memory_space<semaphore_mem>>)
    %add3A_56 = arith.constant 48 : i32
    %add3A_57 = arith.addi %add3A_4, %add3A_56 : i32
    %dma_start3A_58 = arith.constant 0 : i32
    %dma_start3A_59 = tpu.memref_slice %arg2[%add3A_57, %dma_start3A_58] : memref<16384x1024xf32, #tpu.memory_space<hbm>> -> memref<16x1024xf32, #tpu.memory_space<hbm>>
    %dma_start3A_60 = arith.constant 0 : i32
    %dma_start3A_61 = tpu.memref_slice %arg2[%add3A_57, %dma_start3A_60] : memref<16384x1024xf32, #tpu.memory_space<hbm>> -> memref<16x1024xf32, #tpu.memory_space<hbm>>
    tpu.enqueue_dma source(%dma_start3A_61 : memref<16x1024xf32, #tpu.memory_space<hbm>>) target(%arg11 : memref<16x1024xf32, #tpu.memory_space<vmem>>) target_semaphore(%arg18 : memref<!tpu.dma_semaphore, #tpu.memory_space<semaphore_mem>>)
    %dma_wait3A = arith.constant 0 : i32
    %dma_wait3A_62 = tpu.memref_slice %arg2[%add3A_40, %dma_wait3A] : memref<16384x1024xf32, #tpu.memory_space<hbm>> -> memref<16x1024xf32, #tpu.memory_space<hbm>>
    %dma_wait3A_63 = arith.constant 0 : i32
    %dma_wait3A_64 = tpu.memref_slice %arg2[%add3A_40, %dma_wait3A_63] : memref<16384x1024xf32, #tpu.memory_space<hbm>> -> memref<16x1024xf32, #tpu.memory_space<hbm>>
    tpu.wait_dma2 semaphore(%arg15 : memref<!tpu.dma_semaphore, #tpu.memory_space<semaphore_mem>>) src(%dma_wait3A_64 : memref<16x1024xf32, #tpu.memory_space<hbm>>) dst(%arg8 : memref<16x1024xf32, #tpu.memory_space<vmem>>)
    %get3A = arith.constant 0 : index
    %get3A_65 = tpu.vector_load %arg7[%get3A] {strides = array<i32>} : memref<128xi32, #tpu.memory_space<vmem>>, vector<16xi32>,
    %add3A_66 = arith.constant 0 : i32
    %add3A_67 = vector.broadcast %add3A_66 : i32 to vector<16xi32>
    %add3A_68 = arith.addi %iota3A, %add3A_67 : vector<16xi32>
    %gather3A = tpu.vector_load_idx %arg8[%add3A_68, %get3A_65] : memref<16x1024xf32, #tpu.memory_space<vmem>>[vector<16xi32>, vector<16xi32>], vector<16xf32>,
    %get3A_69 = arith.constant 0 : index
    %get3A_70 = tpu.vector_load %arg12[%get3A_69] {strides = array<i32>} : memref<128xf32, #tpu.memory_space<vmem>>, vector<16xf32>,
    %mul3A_71 = arith.mulf %gather3A, %get3A_70 : vector<16xf32>
    %get3A_72 = arith.constant 0 : index
    %get3A_73 = tpu.vector_load %arg13[%get3A_72] {strides = array<i32>} : memref<128xf32, #tpu.memory_space<vmem>>, vector<16xf32>,
    %add3A_74 = arith.addf %mul3A_71, %get3A_73 : vector<16xf32>
    %swap3A = arith.constant 0 : index
    %swap3A_75 = tpu.vector_load %arg14[%swap3A] {strides = array<i32>} : memref<128xf32, #tpu.memory_space<vmem>>, vector<16xf32>,
    tpu.vector_store %arg14[%swap3A], %add3A_74 {strides = array<i32>} : memref<128xf32, #tpu.memory_space<vmem>>, vector<16xf32>,
    %add3A_76 = arith.constant 64 : i32
    %add3A_77 = arith.addi %add3A_4, %add3A_76 : i32
    %dma_start3A_78 = arith.constant 0 : i32
    %dma_start3A_79 = tpu.memref_slice %arg2[%add3A_77, %dma_start3A_78] : memref<16384x1024xf32, #tpu.memory_space<hbm>> -> memref<16x1024xf32, #tpu.memory_space<hbm>>
    %dma_start3A_80 = arith.constant 0 : i32
    %dma_start3A_81 = tpu.memref_slice %arg2[%add3A_77, %dma_start3A_80] : memref<16384x1024xf32, #tpu.memory_space<hbm>> -> memref<16x1024xf32, #tpu.memory_space<hbm>>
    tpu.enqueue_dma source(%dma_start3A_81 : memref<16x1024xf32, #tpu.memory_space<hbm>>) target(%arg8 : memref<16x1024xf32, #tpu.memory_space<vmem>>) target_semaphore(%arg15 : memref<!tpu.dma_semaphore, #tpu.memory_space<semaphore_mem>>)
    %dma_wait3A_82 = arith.constant 0 : i32
    %dma_wait3A_83 = tpu.memref_slice %arg2[%add3A_45, %dma_wait3A_82] : memref<16384x1024xf32, #tpu.memory_space<hbm>> -> memref<16x1024xf32, #tpu.memory_space<hbm>>
    %dma_wait3A_84 = arith.constant 0 : i32
    %dma_wait3A_85 = tpu.memref_slice %arg2[%add3A_45, %dma_wait3A_84] : memref<16384x1024xf32, #tpu.memory_space<hbm>> -> memref<16x1024xf32, #tpu.memory_space<hbm>>
    tpu.wait_dma2 semaphore(%arg16 : memref<!tpu.dma_semaphore, #tpu.memory_space<semaphore_mem>>) src(%dma_wait3A_85 : memref<16x1024xf32, #tpu.memory_space<hbm>>) dst(%arg9 : memref<16x1024xf32, #tpu.memory_space<vmem>>)
    %get3A_86 = arith.constant 16 : index
    %get3A_87 = tpu.vector_load %arg7[%get3A_86] {strides = array<i32>} : memref<128xi32, #tpu.memory_space<vmem>>, vector<16xi32>,
    %add3A_88 = arith.constant 0 : i32
    %add3A_89 = vector.broadcast %add3A_88 : i32 to vector<16xi32>
    %add3A_90 = arith.addi %iota3A, %add3A_89 : vector<16xi32>
    %gather3A_91 = tpu.vector_load_idx %arg9[%add3A_90, %get3A_87] : memref<16x1024xf32, #tpu.memory_space<vmem>>[vector<16xi32>, vector<16xi32>], vector<16xf32>,
    %get3A_92 = arith.constant 16 : index
    %get3A_93 = tpu.vector_load %arg12[%get3A_92] {strides = array<i32>} : memref<128xf32, #tpu.memory_space<vmem>>, vector<16xf32>,
    %mul3A_94 = arith.mulf %gather3A_91, %get3A_93 : vector<16xf32>
    %get3A_95 = arith.constant 16 : index
    %get3A_96 = tpu.vector_load %arg13[%get3A_95] {strides = array<i32>} : memref<128xf32, #tpu.memory_space<vmem>>, vector<16xf32>,
    %add3A_97 = arith.addf %mul3A_94, %get3A_96 : vector<16xf32>
    %swap3A_98 = arith.constant 16 : index
    %swap3A_99 = tpu.vector_load %arg14[%swap3A_98] {strides = array<i32>} : memref<128xf32, #tpu.memory_space<vmem>>, vector<16xf32>,
    tpu.vector_store %arg14[%swap3A_98], %add3A_97 {strides = array<i32>} : memref<128xf32, #tpu.memory_space<vmem>>, vector<16xf32>,
    %add3A_100 = arith.constant 80 : i32
    %add3A_101 = arith.addi %add3A_4, %add3A_100 : i32
    %dma_start3A_102 = arith.constant 0 : i32
    %dma_start3A_103 = tpu.memref_slice %arg2[%add3A_101, %dma_start3A_102] : memref<16384x1024xf32, #tpu.memory_space<hbm>> -> memref<16x1024xf32, #tpu.memory_space<hbm>>
    %dma_start3A_104 = arith.constant 0 : i32
    %dma_start3A_105 = tpu.memref_slice %arg2[%add3A_101, %dma_start3A_104] : memref<16384x1024xf32, #tpu.memory_space<hbm>> -> memref<16x1024xf32, #tpu.memory_space<hbm>>
    tpu.enqueue_dma source(%dma_start3A_105 : memref<16x1024xf32, #tpu.memory_space<hbm>>) target(%arg9 : memref<16x1024xf32, #tpu.memory_space<vmem>>) target_semaphore(%arg16 : memref<!tpu.dma_semaphore, #tpu.memory_space<semaphore_mem>>)
    %dma_wait3A_106 = arith.constant 0 : i32
    %dma_wait3A_107 = tpu.memref_slice %arg2[%add3A_51, %dma_wait3A_106] : memref<16384x1024xf32, #tpu.memory_space<hbm>> -> memref<16x1024xf32, #tpu.memory_space<hbm>>
    %dma_wait3A_108 = arith.constant 0 : i32
    %dma_wait3A_109 = tpu.memref_slice %arg2[%add3A_51, %dma_wait3A_108] : memref<16384x1024xf32, #tpu.memory_space<hbm>> -> memref<16x1024xf32, #tpu.memory_space<hbm>>
    tpu.wait_dma2 semaphore(%arg17 : memref<!tpu.dma_semaphore, #tpu.memory_space<semaphore_mem>>) src(%dma_wait3A_109 : memref<16x1024xf32, #tpu.memory_space<hbm>>) dst(%arg10 : memref<16x1024xf32, #tpu.memory_space<vmem>>)
    %get3A_110 = arith.constant 32 : index
    %get3A_111 = tpu.vector_load %arg7[%get3A_110] {strides = array<i32>} : memref<128xi32, #tpu.memory_space<vmem>>, vector<16xi32>,
    %add3A_112 = arith.constant 0 : i32
    %add3A_113 = vector.broadcast %add3A_112 : i32 to vector<16xi32>
    %add3A_114 = arith.addi %iota3A, %add3A_113 : vector<16xi32>
    %gather3A_115 = tpu.vector_load_idx %arg10[%add3A_114, %get3A_111] : memref<16x1024xf32, #tpu.memory_space<vmem>>[vector<16xi32>, vector<16xi32>], vector<16xf32>,
    %get3A_116 = arith.constant 32 : index
    %get3A_117 = tpu.vector_load %arg12[%get3A_116] {strides = array<i32>} : memref<128xf32, #tpu.memory_space<vmem>>, vector<16xf32>,
    %mul3A_118 = arith.mulf %gather3A_115, %get3A_117 : vector<16xf32>
    %get3A_119 = arith.constant 32 : index
    %get3A_120 = tpu.vector_load %arg13[%get3A_119] {strides = array<i32>} : memref<128xf32, #tpu.memory_space<vmem>>, vector<16xf32>,
    %add3A_121 = arith.addf %mul3A_118, %get3A_120 : vector<16xf32>
    %swap3A_122 = arith.constant 32 : index
    %swap3A_123 = tpu.vector_load %arg14[%swap3A_122] {strides = array<i32>} : memref<128xf32, #tpu.memory_space<vmem>>, vector<16xf32>,
    tpu.vector_store %arg14[%swap3A_122], %add3A_121 {strides = array<i32>} : memref<128xf32, #tpu.memory_space<vmem>>, vector<16xf32>,
    %add3A_124 = arith.constant 96 : i32
    %add3A_125 = arith.addi %add3A_4, %add3A_124 : i32
    %dma_start3A_126 = arith.constant 0 : i32
    %dma_start3A_127 = tpu.memref_slice %arg2[%add3A_125, %dma_start3A_126] : memref<16384x1024xf32, #tpu.memory_space<hbm>> -> memref<16x1024xf32, #tpu.memory_space<hbm>>
    %dma_start3A_128 = arith.constant 0 : i32
    %dma_start3A_129 = tpu.memref_slice %arg2[%add3A_125, %dma_start3A_128] : memref<16384x1024xf32, #tpu.memory_space<hbm>> -> memref<16x1024xf32, #tpu.memory_space<hbm>>
    tpu.enqueue_dma source(%dma_start3A_129 : memref<16x1024xf32, #tpu.memory_space<hbm>>) target(%arg10 : memref<16x1024xf32, #tpu.memory_space<vmem>>) target_semaphore(%arg17 : memref<!tpu.dma_semaphore, #tpu.memory_space<semaphore_mem>>)
    %dma_wait3A_130 = arith.constant 0 : i32
    %dma_wait3A_131 = tpu.memref_slice %arg2[%add3A_57, %dma_wait3A_130] : memref<16384x1024xf32, #tpu.memory_space<hbm>> -> memref<16x1024xf32, #tpu.memory_space<hbm>>
    %dma_wait3A_132 = arith.constant 0 : i32
    %dma_wait3A_133 = tpu.memref_slice %arg2[%add3A_57, %dma_wait3A_132] : memref<16384x1024xf32, #tpu.memory_space<hbm>> -> memref<16x1024xf32, #tpu.memory_space<hbm>>
    tpu.wait_dma2 semaphore(%arg18 : memref<!tpu.dma_semaphore, #tpu.memory_space<semaphore_mem>>) src(%dma_wait3A_133 : memref<16x1024xf32, #tpu.memory_space<hbm>>) dst(%arg11 : memref<16x1024xf32, #tpu.memory_space<vmem>>)
    %get3A_134 = arith.constant 48 : index
    %get3A_135 = tpu.vector_load %arg7[%get3A_134] {strides = array<i32>} : memref<128xi32, #tpu.memory_space<vmem>>, vector<16xi32>,
    %add3A_136 = arith.constant 0 : i32
    %add3A_137 = vector.broadcast %add3A_136 : i32 to vector<16xi32>
    %add3A_138 = arith.addi %iota3A, %add3A_137 : vector<16xi32>
    %gather3A_139 = tpu.vector_load_idx %arg11[%add3A_138, %get3A_135] : memref<16x1024xf32, #tpu.memory_space<vmem>>[vector<16xi32>, vector<16xi32>], vector<16xf32>,
    %get3A_140 = arith.constant 48 : index
    %get3A_141 = tpu.vector_load %arg12[%get3A_140] {strides = array<i32>} : memref<128xf32, #tpu.memory_space<vmem>>, vector<16xf32>,
    %mul3A_142 = arith.mulf %gather3A_139, %get3A_141 : vector<16xf32>
    %get3A_143 = arith.constant 48 : index
    %get3A_144 = tpu.vector_load %arg13[%get3A_143] {strides = array<i32>} : memref<128xf32, #tpu.memory_space<vmem>>, vector<16xf32>,
    %add3A_145 = arith.addf %mul3A_142, %get3A_144 : vector<16xf32>
    %swap3A_146 = arith.constant 48 : index
    %swap3A_147 = tpu.vector_load %arg14[%swap3A_146] {strides = array<i32>} : memref<128xf32, #tpu.memory_space<vmem>>, vector<16xf32>,
    tpu.vector_store %arg14[%swap3A_146], %add3A_145 {strides = array<i32>} : memref<128xf32, #tpu.memory_space<vmem>>, vector<16xf32>,
    %add3A_148 = arith.constant 112 : i32
    %add3A_149 = arith.addi %add3A_4, %add3A_148 : i32
    %dma_start3A_150 = arith.constant 0 : i32
    %dma_start3A_151 = tpu.memref_slice %arg2[%add3A_149, %dma_start3A_150] : memref<16384x1024xf32, #tpu.memory_space<hbm>> -> memref<16x1024xf32, #tpu.memory_space<hbm>>
    %dma_start3A_152 = arith.constant 0 : i32
    %dma_start3A_153 = tpu.memref_slice %arg2[%add3A_149, %dma_start3A_152] : memref<16384x1024xf32, #tpu.memory_space<hbm>> -> memref<16x1024xf32, #tpu.memory_space<hbm>>
    tpu.enqueue_dma source(%dma_start3A_153 : memref<16x1024xf32, #tpu.memory_space<hbm>>) target(%arg11 : memref<16x1024xf32, #tpu.memory_space<vmem>>) target_semaphore(%arg18 : memref<!tpu.dma_semaphore, #tpu.memory_space<semaphore_mem>>)
    %dma_wait3A_154 = arith.constant 0 : i32
    %dma_wait3A_155 = tpu.memref_slice %arg2[%add3A_77, %dma_wait3A_154] : memref<16384x1024xf32, #tpu.memory_space<hbm>> -> memref<16x1024xf32, #tpu.memory_space<hbm>>
    %dma_wait3A_156 = arith.constant 0 : i32
    %dma_wait3A_157 = tpu.memref_slice %arg2[%add3A_77, %dma_wait3A_156] : memref<16384x1024xf32, #tpu.memory_space<hbm>> -> memref<16x1024xf32, #tpu.memory_space<hbm>>
    tpu.wait_dma2 semaphore(%arg15 : memref<!tpu.dma_semaphore, #tpu.memory_space<semaphore_mem>>) src(%dma_wait3A_157 : memref<16x1024xf32, #tpu.memory_space<hbm>>) dst(%arg8 : memref<16x1024xf32, #tpu.memory_space<vmem>>)
    %get3A_158 = arith.constant 64 : index
    %get3A_159 = tpu.vector_load %arg7[%get3A_158] {strides = array<i32>} : memref<128xi32, #tpu.memory_space<vmem>>, vector<16xi32>,
    %add3A_160 = arith.constant 0 : i32
    %add3A_161 = vector.broadcast %add3A_160 : i32 to vector<16xi32>
    %add3A_162 = arith.addi %iota3A, %add3A_161 : vector<16xi32>
    %gather3A_163 = tpu.vector_load_idx %arg8[%add3A_162, %get3A_159] : memref<16x1024xf32, #tpu.memory_space<vmem>>[vector<16xi32>, vector<16xi32>], vector<16xf32>,
    %get3A_164 = arith.constant 64 : index
    %get3A_165 = tpu.vector_load %arg12[%get3A_164] {strides = array<i32>} : memref<128xf32, #tpu.memory_space<vmem>>, vector<16xf32>,
    %mul3A_166 = arith.mulf %gather3A_163, %get3A_165 : vector<16xf32>
    %get3A_167 = arith.constant 64 : index
    %get3A_168 = tpu.vector_load %arg13[%get3A_167] {strides = array<i32>} : memref<128xf32, #tpu.memory_space<vmem>>, vector<16xf32>,
    %add3A_169 = arith.addf %mul3A_166, %get3A_168 : vector<16xf32>
    %swap3A_170 = arith.constant 64 : index
    %swap3A_171 = tpu.vector_load %arg14[%swap3A_170] {strides = array<i32>} : memref<128xf32, #tpu.memory_space<vmem>>, vector<16xf32>,
    tpu.vector_store %arg14[%swap3A_170], %add3A_169 {strides = array<i32>} : memref<128xf32, #tpu.memory_space<vmem>>, vector<16xf32>,
    %dma_wait3A_172 = arith.constant 0 : i32
    %dma_wait3A_173 = tpu.memref_slice %arg2[%add3A_101, %dma_wait3A_172] : memref<16384x1024xf32, #tpu.memory_space<hbm>> -> memref<16x1024xf32, #tpu.memory_space<hbm>>
    %dma_wait3A_174 = arith.constant 0 : i32
    %dma_wait3A_175 = tpu.memref_slice %arg2[%add3A_101, %dma_wait3A_174] : memref<16384x1024xf32, #tpu.memory_space<hbm>> -> memref<16x1024xf32, #tpu.memory_space<hbm>>
    tpu.wait_dma2 semaphore(%arg16 : memref<!tpu.dma_semaphore, #tpu.memory_space<semaphore_mem>>) src(%dma_wait3A_175 : memref<16x1024xf32, #tpu.memory_space<hbm>>) dst(%arg9 : memref<16x1024xf32, #tpu.memory_space<vmem>>)
    %get3A_176 = arith.constant 80 : index
    %get3A_177 = tpu.vector_load %arg7[%get3A_176] {strides = array<i32>} : memref<128xi32, #tpu.memory_space<vmem>>, vector<16xi32>,
    %add3A_178 = arith.constant 0 : i32
    %add3A_179 = vector.broadcast %add3A_178 : i32 to vector<16xi32>
    %add3A_180 = arith.addi %iota3A, %add3A_179 : vector<16xi32>
    %gather3A_181 = tpu.vector_load_idx %arg9[%add3A_180, %get3A_177] : memref<16x1024xf32, #tpu.memory_space<vmem>>[vector<16xi32>, vector<16xi32>], vector<16xf32>,
    %get3A_182 = arith.constant 80 : index
    %get3A_183 = tpu.vector_load %arg12[%get3A_182] {strides = array<i32>} : memref<128xf32, #tpu.memory_space<vmem>>, vector<16xf32>,
    %mul3A_184 = arith.mulf %gather3A_181, %get3A_183 : vector<16xf32>
    %get3A_185 = arith.constant 80 : index
    %get3A_186 = tpu.vector_load %arg13[%get3A_185] {strides = array<i32>} : memref<128xf32, #tpu.memory_space<vmem>>, vector<16xf32>,
    %add3A_187 = arith.addf %mul3A_184, %get3A_186 : vector<16xf32>
    %swap3A_188 = arith.constant 80 : index
    %swap3A_189 = tpu.vector_load %arg14[%swap3A_188] {strides = array<i32>} : memref<128xf32, #tpu.memory_space<vmem>>, vector<16xf32>,
    tpu.vector_store %arg14[%swap3A_188], %add3A_187 {strides = array<i32>} : memref<128xf32, #tpu.memory_space<vmem>>, vector<16xf32>,
    %dma_wait3A_190 = arith.constant 0 : i32
    %dma_wait3A_191 = tpu.memref_slice %arg2[%add3A_125, %dma_wait3A_190] : memref<16384x1024xf32, #tpu.memory_space<hbm>> -> memref<16x1024xf32, #tpu.memory_space<hbm>>
    %dma_wait3A_192 = arith.constant 0 : i32
    %dma_wait3A_193 = tpu.memref_slice %arg2[%add3A_125, %dma_wait3A_192] : memref<16384x1024xf32, #tpu.memory_space<hbm>> -> memref<16x1024xf32, #tpu.memory_space<hbm>>
    tpu.wait_dma2 semaphore(%arg17 : memref<!tpu.dma_semaphore, #tpu.memory_space<semaphore_mem>>) src(%dma_wait3A_193 : memref<16x1024xf32, #tpu.memory_space<hbm>>) dst(%arg10 : memref<16x1024xf32, #tpu.memory_space<vmem>>)
    %get3A_194 = arith.constant 96 : index
    %get3A_195 = tpu.vector_load %arg7[%get3A_194] {strides = array<i32>} : memref<128xi32, #tpu.memory_space<vmem>>, vector<16xi32>,
    %add3A_196 = arith.constant 0 : i32
    %add3A_197 = vector.broadcast %add3A_196 : i32 to vector<16xi32>
    %add3A_198 = arith.addi %iota3A, %add3A_197 : vector<16xi32>
    %gather3A_199 = tpu.vector_load_idx %arg10[%add3A_198, %get3A_195] : memref<16x1024xf32, #tpu.memory_space<vmem>>[vector<16xi32>, vector<16xi32>], vector<16xf32>,
    %get3A_200 = arith.constant 96 : index
    %get3A_201 = tpu.vector_load %arg12[%get3A_200] {strides = array<i32>} : memref<128xf32, #tpu.memory_space<vmem>>, vector<16xf32>,
    %mul3A_202 = arith.mulf %gather3A_199, %get3A_201 : vector<16xf32>
    %get3A_203 = arith.constant 96 : index
    %get3A_204 = tpu.vector_load %arg13[%get3A_203] {strides = array<i32>} : memref<128xf32, #tpu.memory_space<vmem>>, vector<16xf32>,
    %add3A_205 = arith.addf %mul3A_202, %get3A_204 : vector<16xf32>
    %swap3A_206 = arith.constant 96 : index
    %swap3A_207 = tpu.vector_load %arg14[%swap3A_206] {strides = array<i32>} : memref<128xf32, #tpu.memory_space<vmem>>, vector<16xf32>,
    tpu.vector_store %arg14[%swap3A_206], %add3A_205 {strides = array<i32>} : memref<128xf32, #tpu.memory_space<vmem>>, vector<16xf32>,
    %dma_wait3A_208 = arith.constant 0 : i32
    %dma_wait3A_209 = tpu.memref_slice %arg2[%add3A_149, %dma_wait3A_208] : memref<16384x1024xf32, #tpu.memory_space<hbm>> -> memref<16x1024xf32, #tpu.memory_space<hbm>>
    %dma_wait3A_210 = arith.constant 0 : i32
    %dma_wait3A_211 = tpu.memref_slice %arg2[%add3A_149, %dma_wait3A_210] : memref<16384x1024xf32, #tpu.memory_space<hbm>> -> memref<16x1024xf32, #tpu.memory_space<hbm>>
    tpu.wait_dma2 semaphore(%arg18 : memref<!tpu.dma_semaphore, #tpu.memory_space<semaphore_mem>>) src(%dma_wait3A_211 : memref<16x1024xf32, #tpu.memory_space<hbm>>) dst(%arg11 : memref<16x1024xf32, #tpu.memory_space<vmem>>)
    %get3A_212 = arith.constant 112 : index
    %get3A_213 = tpu.vector_load %arg7[%get3A_212] {strides = array<i32>} : memref<128xi32, #tpu.memory_space<vmem>>, vector<16xi32>,
    %add3A_214 = arith.constant 0 : i32
    %add3A_215 = vector.broadcast %add3A_214 : i32 to vector<16xi32>
    %add3A_216 = arith.addi %iota3A, %add3A_215 : vector<16xi32>
    %gather3A_217 = tpu.vector_load_idx %arg11[%add3A_216, %get3A_213] : memref<16x1024xf32, #tpu.memory_space<vmem>>[vector<16xi32>, vector<16xi32>], vector<16xf32>,
    %get3A_218 = arith.constant 112 : index
    %get3A_219 = tpu.vector_load %arg12[%get3A_218] {strides = array<i32>} : memref<128xf32, #tpu.memory_space<vmem>>, vector<16xf32>,
    %mul3A_220 = arith.mulf %gather3A_217, %get3A_219 : vector<16xf32>
    %get3A_221 = arith.constant 112 : index
    %get3A_222 = tpu.vector_load %arg13[%get3A_221] {strides = array<i32>} : memref<128xf32, #tpu.memory_space<vmem>>, vector<16xf32>,
    %add3A_223 = arith.addf %mul3A_220, %get3A_222 : vector<16xf32>
    %swap3A_224 = arith.constant 112 : index
    %swap3A_225 = tpu.vector_load %arg14[%swap3A_224] {strides = array<i32>} : memref<128xf32, #tpu.memory_space<vmem>>, vector<16xf32>,
    tpu.vector_store %arg14[%swap3A_224], %add3A_223 {strides = array<i32>} : memref<128xf32, #tpu.memory_space<vmem>>, vector<16xf32>,
    "tpu.region"() ({
      %run_scoped3A_226 = tpu.sem_alloc : memref<!tpu.dma_semaphore, #tpu.memory_space<semaphore_mem>>
      %dma_start3A_227 = tpu.memref_slice %arg6[%mul3A_2] : memref<4096xf32, #tpu.memory_space<hbm>> -> memref<128xf32, #tpu.memory_space<hbm>>
      %dma_start3A_228 = tpu.memref_slice %arg6[%mul3A_2] : memref<4096xf32, #tpu.memory_space<hbm>> -> memref<128xf32, #tpu.memory_space<hbm>>
      tpu.enqueue_dma source(%arg14 : memref<128xf32, #tpu.memory_space<vmem>>) target(%dma_start3A_228 : memref<128xf32, #tpu.memory_space<hbm>>) target_semaphore(%run_scoped3A_226 : memref<!tpu.dma_semaphore, #tpu.memory_space<semaphore_mem>>)
      %dma_wait3A_229 = tpu.memref_slice %arg6[%mul3A_2] : memref<4096xf32, #tpu.memory_space<hbm>> -> memref<128xf32, #tpu.memory_space<hbm>>
      %dma_wait3A_230 = tpu.memref_slice %arg6[%mul3A_2] : memref<4096xf32, #tpu.memory_space<hbm>> -> memref<128xf32, #tpu.memory_space<hbm>>
      tpu.wait_dma2 semaphore(%run_scoped3A_226 : memref<!tpu.dma_semaphore, #tpu.memory_space<semaphore_mem>>) src(%arg14 : memref<128xf32, #tpu.memory_space<vmem>>) dst(%dma_wait3A_230 : memref<128xf32, #tpu.memory_space<hbm>>)
      tpu.yield
    }) : () -> ()
    return
  }
}

#map = affine_map<(d0, d1) -> (0, 0)>
#map1 = affine_map<(d0, d1) -> (0, 0, 0)>
#map2 = affine_map<(d0, d1) -> (0)>
module attributes {stable_mosaic.version = 14 : i64} {
  func.func @_sc_body(%arg0: i32, %arg1: i32, %arg2: memref<16384x1024xf32, #tpu.memory_space<hbm>>, %arg3: memref<4x1x1024xi32, #tpu.memory_space<hbm>>, %arg4: memref<4x1x1024xf32, #tpu.memory_space<hbm>>, %arg5: memref<4x1x1024xf32, #tpu.memory_space<hbm>>, %arg6: memref<4096xf32, #tpu.memory_space<hbm>>, %arg7: memref<128xi32, #tpu.memory_space<vmem>>, %arg8: memref<16x1024xf32, #tpu.memory_space<vmem>>, %arg9: memref<16x1024xf32, #tpu.memory_space<vmem>>, %arg10: memref<16x1024xf32, #tpu.memory_space<vmem>>, %arg11: memref<16x1024xf32, #tpu.memory_space<vmem>>, %arg12: memref<128xf32, #tpu.memory_space<vmem>>, %arg13: memref<128xf32, #tpu.memory_space<vmem>>, %arg14: memref<128xf32, #tpu.memory_space<vmem>>, %arg15: memref<!tpu.dma_semaphore, #tpu.memory_space<semaphore_mem>>, %arg16: memref<!tpu.dma_semaphore, #tpu.memory_space<semaphore_mem>>, %arg17: memref<!tpu.dma_semaphore, #tpu.memory_space<semaphore_mem>>, %arg18: memref<!tpu.dma_semaphore, #tpu.memory_space<semaphore_mem>>) attributes {dimension_semantics = [#tpu.dimension_semantics<core_parallel>, #tpu.dimension_semantics<subcore_parallel>], iteration_bounds = array<i64: 2, 16>, scalar_prefetch = 0 : i64, scratch_operands = 12 : i64, tpu.core_type = #tpu.core_type<sc_vector_subcore>, window_params = [{transform_indices = #map}, {transform_indices = #map1}, {transform_indices = #map1}, {transform_indices = #map1}, {transform_indices = #map2}]} {
    %mul3A = arith.constant 2 : i32
    %mul3A_0 = arith.muli %arg1, %mul3A : i32
    %add3A = arith.addi %mul3A_0, %arg0 : i32
    %mul3A_1 = arith.constant 128 : i32
    %mul3A_2 = arith.muli %add3A, %mul3A_1 : i32
    %add3A_3 = arith.constant 8192 : i32
    %add3A_4 = arith.addi %add3A_3, %mul3A_2 : i32
    %jit3A = arith.constant 8 : i32
    %div3A = arith.divsi %add3A, %jit3A : i32
    %sign3A = arith.constant 0 : i32
    %sign3A_5 = arith.cmpi sgt, %add3A, %sign3A : i32
    %sign3A_6 = arith.extui %sign3A_5 : i1 to i32
    %sign3A_7 = arith.constant 0 : i32
    %sign3A_8 = arith.cmpi slt, %add3A, %sign3A_7 : i32
    %sign3A_9 = arith.extui %sign3A_8 : i1 to i32
    %sign3A_10 = arith.subi %sign3A_6, %sign3A_9 : i32
    %sign3A_11 = arith.constant 0 : i32
    %sign3A_12 = arith.cmpi sgt, %jit3A, %sign3A_11 : i32
    %sign3A_13 = arith.extui %sign3A_12 : i1 to i32
    %sign3A_14 = arith.constant 0 : i32
    %sign3A_15 = arith.cmpi slt, %jit3A, %sign3A_14 : i32
    %sign3A_16 = arith.extui %sign3A_15 : i1 to i32
    %sign3A_17 = arith.subi %sign3A_13, %sign3A_16 : i32
    %ne3A = arith.cmpi ne, %sign3A_10, %sign3A_17 : i32
    %rem3A = arith.remsi %add3A, %jit3A : i32
    %ne3A_18 = arith.constant 0 : i32
    %ne3A_19 = arith.cmpi ne, %rem3A, %ne3A_18 : i32
    %and3A = arith.andi %ne3A, %ne3A_19 : i1
    %sub3A = arith.constant 1 : i32
    %sub3A_20 = arith.subi %div3A, %sub3A : i32
    %select_n3A = arith.select %and3A, %sub3A_20, %div3A : i32
    %jit3A_21 = arith.constant 8 : i32
    %eq3A = arith.constant 0 : i32
    %eq3A_22 = arith.cmpi eq, %jit3A_21, %eq3A : i32
    %jit3A_23 = arith.constant 1 : i32
    %select_n3A_24 = arith.select %eq3A_22, %jit3A_23, %jit3A_21 : i32
    %rem3A_25 = arith.remsi %add3A, %select_n3A_24 : i32
    %ne3A_26 = arith.constant 0 : i32
    %ne3A_27 = arith.cmpi ne, %rem3A_25, %ne3A_26 : i32
    %lt3A = arith.constant 0 : i32
    %lt3A_28 = arith.cmpi slt, %rem3A_25, %lt3A : i32
    %lt3A_29 = arith.constant 0 : i32
    %lt3A_30 = arith.cmpi slt, %select_n3A_24, %lt3A_29 : i32
    %ne3A_31 = arith.xori %lt3A_28, %lt3A_30 : i1
    %and3A_32 = arith.andi %ne3A_31, %ne3A_27 : i1
    %add3A_33 = arith.addi %rem3A_25, %select_n3A_24 : i32
    %select_n3A_34 = arith.select %and3A_32, %add3A_33, %rem3A_25 : i32
    %mul3A_35 = arith.constant 128 : i32
    %mul3A_36 = arith.muli %select_n3A_34, %mul3A_35 : i32
    %run_scoped3A = arith.constant 0 : i32
    "tpu.region"() ({
      %run_scoped3A_226 = tpu.sem_alloc : memref<!tpu.dma_semaphore, #tpu.memory_space<semaphore_mem>>
      %dma_start3A_227 = tpu.memref_slice %arg3[%select_n3A, %run_scoped3A, %mul3A_36] : memref<4x1x1024xi32, #tpu.memory_space<hbm>> -> memref<1x1x128xi32, #tpu.memory_space<hbm>>
      %dma_start3A_228 = tpu.memref_squeeze %dma_start3A_227 : memref<1x1x128xi32, #tpu.memory_space<hbm>> -> memref<128xi32, #tpu.memory_space<hbm>>
      %dma_start3A_229 = tpu.memref_slice %arg3[%select_n3A, %run_scoped3A, %mul3A_36] : memref<4x1x1024xi32, #tpu.memory_space<hbm>> -> memref<1x1x128xi32, #tpu.memory_space<hbm>>
      %dma_start3A_230 = tpu.memref_squeeze %dma_start3A_229 : memref<1x1x128xi32, #tpu.memory_space<hbm>> -> memref<128xi32, #tpu.memory_space<hbm>>
      tpu.enqueue_dma source(%dma_start3A_230 : memref<128xi32, #tpu.memory_space<hbm>>) target(%arg7 : memref<128xi32, #tpu.memory_space<vmem>>) target_semaphore(%run_scoped3A_226 : memref<!tpu.dma_semaphore, #tpu.memory_space<semaphore_mem>>)
      %dma_wait3A_231 = tpu.memref_slice %arg3[%select_n3A, %run_scoped3A, %mul3A_36] : memref<4x1x1024xi32, #tpu.memory_space<hbm>> -> memref<1x1x128xi32, #tpu.memory_space<hbm>>
      %dma_wait3A_232 = tpu.memref_squeeze %dma_wait3A_231 : memref<1x1x128xi32, #tpu.memory_space<hbm>> -> memref<128xi32, #tpu.memory_space<hbm>>
      %dma_wait3A_233 = tpu.memref_slice %arg3[%select_n3A, %run_scoped3A, %mul3A_36] : memref<4x1x1024xi32, #tpu.memory_space<hbm>> -> memref<1x1x128xi32, #tpu.memory_space<hbm>>
      %dma_wait3A_234 = tpu.memref_squeeze %dma_wait3A_233 : memref<1x1x128xi32, #tpu.memory_space<hbm>> -> memref<128xi32, #tpu.memory_space<hbm>>
      tpu.wait_dma2 semaphore(%run_scoped3A_226 : memref<!tpu.dma_semaphore, #tpu.memory_space<semaphore_mem>>) src(%dma_wait3A_234 : memref<128xi32, #tpu.memory_space<hbm>>) dst(%arg7 : memref<128xi32, #tpu.memory_space<vmem>>)
      tpu.yield
    }) : () -> ()
    %run_scoped3A_37 = arith.constant 0 : i32
    "tpu.region"() ({
      %run_scoped3A_226 = tpu.sem_alloc : memref<!tpu.dma_semaphore, #tpu.memory_space<semaphore_mem>>
      %dma_start3A_227 = tpu.memref_slice %arg4[%select_n3A, %run_scoped3A_37, %mul3A_36] : memref<4x1x1024xf32, #tpu.memory_space<hbm>> -> memref<1x1x128xf32, #tpu.memory_space<hbm>>
      %dma_start3A_228 = tpu.memref_squeeze %dma_start3A_227 : memref<1x1x128xf32, #tpu.memory_space<hbm>> -> memref<128xf32, #tpu.memory_space<hbm>>
      %dma_start3A_229 = tpu.memref_slice %arg4[%select_n3A, %run_scoped3A_37, %mul3A_36] : memref<4x1x1024xf32, #tpu.memory_space<hbm>> -> memref<1x1x128xf32, #tpu.memory_space<hbm>>
      %dma_start3A_230 = tpu.memref_squeeze %dma_start3A_229 : memref<1x1x128xf32, #tpu.memory_space<hbm>> -> memref<128xf32, #tpu.memory_space<hbm>>
      tpu.enqueue_dma source(%dma_start3A_230 : memref<128xf32, #tpu.memory_space<hbm>>) target(%arg12 : memref<128xf32, #tpu.memory_space<vmem>>) target_semaphore(%run_scoped3A_226 : memref<!tpu.dma_semaphore, #tpu.memory_space<semaphore_mem>>)
      %dma_wait3A_231 = tpu.memref_slice %arg4[%select_n3A, %run_scoped3A_37, %mul3A_36] : memref<4x1x1024xf32, #tpu.memory_space<hbm>> -> memref<1x1x128xf32, #tpu.memory_space<hbm>>
      %dma_wait3A_232 = tpu.memref_squeeze %dma_wait3A_231 : memref<1x1x128xf32, #tpu.memory_space<hbm>> -> memref<128xf32, #tpu.memory_space<hbm>>
      %dma_wait3A_233 = tpu.memref_slice %arg4[%select_n3A, %run_scoped3A_37, %mul3A_36] : memref<4x1x1024xf32, #tpu.memory_space<hbm>> -> memref<1x1x128xf32, #tpu.memory_space<hbm>>
      %dma_wait3A_234 = tpu.memref_squeeze %dma_wait3A_233 : memref<1x1x128xf32, #tpu.memory_space<hbm>> -> memref<128xf32, #tpu.memory_space<hbm>>
      tpu.wait_dma2 semaphore(%run_scoped3A_226 : memref<!tpu.dma_semaphore, #tpu.memory_space<semaphore_mem>>) src(%dma_wait3A_234 : memref<128xf32, #tpu.memory_space<hbm>>) dst(%arg12 : memref<128xf32, #tpu.memory_space<vmem>>)
      tpu.yield
    }) : () -> ()
    %run_scoped3A_38 = arith.constant 0 : i32
    "tpu.region"() ({
      %run_scoped3A_226 = tpu.sem_alloc : memref<!tpu.dma_semaphore, #tpu.memory_space<semaphore_mem>>
      %dma_start3A_227 = tpu.memref_slice %arg5[%select_n3A, %run_scoped3A_38, %mul3A_36] : memref<4x1x1024xf32, #tpu.memory_space<hbm>> -> memref<1x1x128xf32, #tpu.memory_space<hbm>>
      %dma_start3A_228 = tpu.memref_squeeze %dma_start3A_227 : memref<1x1x128xf32, #tpu.memory_space<hbm>> -> memref<128xf32, #tpu.memory_space<hbm>>
      %dma_start3A_229 = tpu.memref_slice %arg5[%select_n3A, %run_scoped3A_38, %mul3A_36] : memref<4x1x1024xf32, #tpu.memory_space<hbm>> -> memref<1x1x128xf32, #tpu.memory_space<hbm>>
      %dma_start3A_230 = tpu.memref_squeeze %dma_start3A_229 : memref<1x1x128xf32, #tpu.memory_space<hbm>> -> memref<128xf32, #tpu.memory_space<hbm>>
      tpu.enqueue_dma source(%dma_start3A_230 : memref<128xf32, #tpu.memory_space<hbm>>) target(%arg13 : memref<128xf32, #tpu.memory_space<vmem>>) target_semaphore(%run_scoped3A_226 : memref<!tpu.dma_semaphore, #tpu.memory_space<semaphore_mem>>)
      %dma_wait3A_231 = tpu.memref_slice %arg5[%select_n3A, %run_scoped3A_38, %mul3A_36] : memref<4x1x1024xf32, #tpu.memory_space<hbm>> -> memref<1x1x128xf32, #tpu.memory_space<hbm>>
      %dma_wait3A_232 = tpu.memref_squeeze %dma_wait3A_231 : memref<1x1x128xf32, #tpu.memory_space<hbm>> -> memref<128xf32, #tpu.memory_space<hbm>>
      %dma_wait3A_233 = tpu.memref_slice %arg5[%select_n3A, %run_scoped3A_38, %mul3A_36] : memref<4x1x1024xf32, #tpu.memory_space<hbm>> -> memref<1x1x128xf32, #tpu.memory_space<hbm>>
      %dma_wait3A_234 = tpu.memref_squeeze %dma_wait3A_233 : memref<1x1x128xf32, #tpu.memory_space<hbm>> -> memref<128xf32, #tpu.memory_space<hbm>>
      tpu.wait_dma2 semaphore(%run_scoped3A_226 : memref<!tpu.dma_semaphore, #tpu.memory_space<semaphore_mem>>) src(%dma_wait3A_234 : memref<128xf32, #tpu.memory_space<hbm>>) dst(%arg13 : memref<128xf32, #tpu.memory_space<vmem>>)
      tpu.yield
    }) : () -> ()
    %iota3A = tpu.iota {dimensions = array<i32: 0>} : vector<16xi32>
    %add3A_39 = arith.constant 0 : i32
    %add3A_40 = arith.addi %add3A_4, %add3A_39 : i32
    %dma_start3A = arith.constant 0 : i32
    %dma_start3A_41 = tpu.memref_slice %arg2[%add3A_40, %dma_start3A] : memref<16384x1024xf32, #tpu.memory_space<hbm>> -> memref<16x1024xf32, #tpu.memory_space<hbm>>
    %dma_start3A_42 = arith.constant 0 : i32
    %dma_start3A_43 = tpu.memref_slice %arg2[%add3A_40, %dma_start3A_42] : memref<16384x1024xf32, #tpu.memory_space<hbm>> -> memref<16x1024xf32, #tpu.memory_space<hbm>>
    tpu.enqueue_dma source(%dma_start3A_43 : memref<16x1024xf32, #tpu.memory_space<hbm>>) target(%arg8 : memref<16x1024xf32, #tpu.memory_space<vmem>>) target_semaphore(%arg15 : memref<!tpu.dma_semaphore, #tpu.memory_space<semaphore_mem>>)
    %add3A_44 = arith.constant 16 : i32
    %add3A_45 = arith.addi %add3A_4, %add3A_44 : i32
    %dma_start3A_46 = arith.constant 0 : i32
    %dma_start3A_47 = tpu.memref_slice %arg2[%add3A_45, %dma_start3A_46] : memref<16384x1024xf32, #tpu.memory_space<hbm>> -> memref<16x1024xf32, #tpu.memory_space<hbm>>
    %dma_start3A_48 = arith.constant 0 : i32
    %dma_start3A_49 = tpu.memref_slice %arg2[%add3A_45, %dma_start3A_48] : memref<16384x1024xf32, #tpu.memory_space<hbm>> -> memref<16x1024xf32, #tpu.memory_space<hbm>>
    tpu.enqueue_dma source(%dma_start3A_49 : memref<16x1024xf32, #tpu.memory_space<hbm>>) target(%arg9 : memref<16x1024xf32, #tpu.memory_space<vmem>>) target_semaphore(%arg16 : memref<!tpu.dma_semaphore, #tpu.memory_space<semaphore_mem>>)
    %add3A_50 = arith.constant 32 : i32
    %add3A_51 = arith.addi %add3A_4, %add3A_50 : i32
    %dma_start3A_52 = arith.constant 0 : i32
    %dma_start3A_53 = tpu.memref_slice %arg2[%add3A_51, %dma_start3A_52] : memref<16384x1024xf32, #tpu.memory_space<hbm>> -> memref<16x1024xf32, #tpu.memory_space<hbm>>
    %dma_start3A_54 = arith.constant 0 : i32
    %dma_start3A_55 = tpu.memref_slice %arg2[%add3A_51, %dma_start3A_54] : memref<16384x1024xf32, #tpu.memory_space<hbm>> -> memref<16x1024xf32, #tpu.memory_space<hbm>>
    tpu.enqueue_dma source(%dma_start3A_55 : memref<16x1024xf32, #tpu.memory_space<hbm>>) target(%arg10 : memref<16x1024xf32, #tpu.memory_space<vmem>>) target_semaphore(%arg17 : memref<!tpu.dma_semaphore, #tpu.memory_space<semaphore_mem>>)
    %add3A_56 = arith.constant 48 : i32
    %add3A_57 = arith.addi %add3A_4, %add3A_56 : i32
    %dma_start3A_58 = arith.constant 0 : i32
    %dma_start3A_59 = tpu.memref_slice %arg2[%add3A_57, %dma_start3A_58] : memref<16384x1024xf32, #tpu.memory_space<hbm>> -> memref<16x1024xf32, #tpu.memory_space<hbm>>
    %dma_start3A_60 = arith.constant 0 : i32
    %dma_start3A_61 = tpu.memref_slice %arg2[%add3A_57, %dma_start3A_60] : memref<16384x1024xf32, #tpu.memory_space<hbm>> -> memref<16x1024xf32, #tpu.memory_space<hbm>>
    tpu.enqueue_dma source(%dma_start3A_61 : memref<16x1024xf32, #tpu.memory_space<hbm>>) target(%arg11 : memref<16x1024xf32, #tpu.memory_space<vmem>>) target_semaphore(%arg18 : memref<!tpu.dma_semaphore, #tpu.memory_space<semaphore_mem>>)
    %dma_wait3A = arith.constant 0 : i32
    %dma_wait3A_62 = tpu.memref_slice %arg2[%add3A_40, %dma_wait3A] : memref<16384x1024xf32, #tpu.memory_space<hbm>> -> memref<16x1024xf32, #tpu.memory_space<hbm>>
    %dma_wait3A_63 = arith.constant 0 : i32
    %dma_wait3A_64 = tpu.memref_slice %arg2[%add3A_40, %dma_wait3A_63] : memref<16384x1024xf32, #tpu.memory_space<hbm>> -> memref<16x1024xf32, #tpu.memory_space<hbm>>
    tpu.wait_dma2 semaphore(%arg15 : memref<!tpu.dma_semaphore, #tpu.memory_space<semaphore_mem>>) src(%dma_wait3A_64 : memref<16x1024xf32, #tpu.memory_space<hbm>>) dst(%arg8 : memref<16x1024xf32, #tpu.memory_space<vmem>>)
    %get3A = arith.constant 0 : index
    %get3A_65 = tpu.vector_load %arg7[%get3A] {strides = array<i32>} : memref<128xi32, #tpu.memory_space<vmem>>, vector<16xi32>,
    %add3A_66 = arith.constant 0 : i32
    %add3A_67 = vector.broadcast %add3A_66 : i32 to vector<16xi32>
    %add3A_68 = arith.addi %iota3A, %add3A_67 : vector<16xi32>
    %gather3A = tpu.vector_load_idx %arg8[%add3A_68, %get3A_65] : memref<16x1024xf32, #tpu.memory_space<vmem>>[vector<16xi32>, vector<16xi32>], vector<16xf32>,
    %get3A_69 = arith.constant 0 : index
    %get3A_70 = tpu.vector_load %arg12[%get3A_69] {strides = array<i32>} : memref<128xf32, #tpu.memory_space<vmem>>, vector<16xf32>,
    %mul3A_71 = arith.mulf %gather3A, %get3A_70 : vector<16xf32>
    %get3A_72 = arith.constant 0 : index
    %get3A_73 = tpu.vector_load %arg13[%get3A_72] {strides = array<i32>} : memref<128xf32, #tpu.memory_space<vmem>>, vector<16xf32>,
    %add3A_74 = arith.addf %mul3A_71, %get3A_73 : vector<16xf32>
    %swap3A = arith.constant 0 : index
    %swap3A_75 = tpu.vector_load %arg14[%swap3A] {strides = array<i32>} : memref<128xf32, #tpu.memory_space<vmem>>, vector<16xf32>,
    tpu.vector_store %arg14[%swap3A], %add3A_74 {strides = array<i32>} : memref<128xf32, #tpu.memory_space<vmem>>, vector<16xf32>,
    %add3A_76 = arith.constant 64 : i32
    %add3A_77 = arith.addi %add3A_4, %add3A_76 : i32
    %dma_start3A_78 = arith.constant 0 : i32
    %dma_start3A_79 = tpu.memref_slice %arg2[%add3A_77, %dma_start3A_78] : memref<16384x1024xf32, #tpu.memory_space<hbm>> -> memref<16x1024xf32, #tpu.memory_space<hbm>>
    %dma_start3A_80 = arith.constant 0 : i32
    %dma_start3A_81 = tpu.memref_slice %arg2[%add3A_77, %dma_start3A_80] : memref<16384x1024xf32, #tpu.memory_space<hbm>> -> memref<16x1024xf32, #tpu.memory_space<hbm>>
    tpu.enqueue_dma source(%dma_start3A_81 : memref<16x1024xf32, #tpu.memory_space<hbm>>) target(%arg8 : memref<16x1024xf32, #tpu.memory_space<vmem>>) target_semaphore(%arg15 : memref<!tpu.dma_semaphore, #tpu.memory_space<semaphore_mem>>)
    %dma_wait3A_82 = arith.constant 0 : i32
    %dma_wait3A_83 = tpu.memref_slice %arg2[%add3A_45, %dma_wait3A_82] : memref<16384x1024xf32, #tpu.memory_space<hbm>> -> memref<16x1024xf32, #tpu.memory_space<hbm>>
    %dma_wait3A_84 = arith.constant 0 : i32
    %dma_wait3A_85 = tpu.memref_slice %arg2[%add3A_45, %dma_wait3A_84] : memref<16384x1024xf32, #tpu.memory_space<hbm>> -> memref<16x1024xf32, #tpu.memory_space<hbm>>
    tpu.wait_dma2 semaphore(%arg16 : memref<!tpu.dma_semaphore, #tpu.memory_space<semaphore_mem>>) src(%dma_wait3A_85 : memref<16x1024xf32, #tpu.memory_space<hbm>>) dst(%arg9 : memref<16x1024xf32, #tpu.memory_space<vmem>>)
    %get3A_86 = arith.constant 16 : index
    %get3A_87 = tpu.vector_load %arg7[%get3A_86] {strides = array<i32>} : memref<128xi32, #tpu.memory_space<vmem>>, vector<16xi32>,
    %add3A_88 = arith.constant 0 : i32
    %add3A_89 = vector.broadcast %add3A_88 : i32 to vector<16xi32>
    %add3A_90 = arith.addi %iota3A, %add3A_89 : vector<16xi32>
    %gather3A_91 = tpu.vector_load_idx %arg9[%add3A_90, %get3A_87] : memref<16x1024xf32, #tpu.memory_space<vmem>>[vector<16xi32>, vector<16xi32>], vector<16xf32>,
    %get3A_92 = arith.constant 16 : index
    %get3A_93 = tpu.vector_load %arg12[%get3A_92] {strides = array<i32>} : memref<128xf32, #tpu.memory_space<vmem>>, vector<16xf32>,
    %mul3A_94 = arith.mulf %gather3A_91, %get3A_93 : vector<16xf32>
    %get3A_95 = arith.constant 16 : index
    %get3A_96 = tpu.vector_load %arg13[%get3A_95] {strides = array<i32>} : memref<128xf32, #tpu.memory_space<vmem>>, vector<16xf32>,
    %add3A_97 = arith.addf %mul3A_94, %get3A_96 : vector<16xf32>
    %swap3A_98 = arith.constant 16 : index
    %swap3A_99 = tpu.vector_load %arg14[%swap3A_98] {strides = array<i32>} : memref<128xf32, #tpu.memory_space<vmem>>, vector<16xf32>,
    tpu.vector_store %arg14[%swap3A_98], %add3A_97 {strides = array<i32>} : memref<128xf32, #tpu.memory_space<vmem>>, vector<16xf32>,
    %add3A_100 = arith.constant 80 : i32
    %add3A_101 = arith.addi %add3A_4, %add3A_100 : i32
    %dma_start3A_102 = arith.constant 0 : i32
    %dma_start3A_103 = tpu.memref_slice %arg2[%add3A_101, %dma_start3A_102] : memref<16384x1024xf32, #tpu.memory_space<hbm>> -> memref<16x1024xf32, #tpu.memory_space<hbm>>
    %dma_start3A_104 = arith.constant 0 : i32
    %dma_start3A_105 = tpu.memref_slice %arg2[%add3A_101, %dma_start3A_104] : memref<16384x1024xf32, #tpu.memory_space<hbm>> -> memref<16x1024xf32, #tpu.memory_space<hbm>>
    tpu.enqueue_dma source(%dma_start3A_105 : memref<16x1024xf32, #tpu.memory_space<hbm>>) target(%arg9 : memref<16x1024xf32, #tpu.memory_space<vmem>>) target_semaphore(%arg16 : memref<!tpu.dma_semaphore, #tpu.memory_space<semaphore_mem>>)
    %dma_wait3A_106 = arith.constant 0 : i32
    %dma_wait3A_107 = tpu.memref_slice %arg2[%add3A_51, %dma_wait3A_106] : memref<16384x1024xf32, #tpu.memory_space<hbm>> -> memref<16x1024xf32, #tpu.memory_space<hbm>>
    %dma_wait3A_108 = arith.constant 0 : i32
    %dma_wait3A_109 = tpu.memref_slice %arg2[%add3A_51, %dma_wait3A_108] : memref<16384x1024xf32, #tpu.memory_space<hbm>> -> memref<16x1024xf32, #tpu.memory_space<hbm>>
    tpu.wait_dma2 semaphore(%arg17 : memref<!tpu.dma_semaphore, #tpu.memory_space<semaphore_mem>>) src(%dma_wait3A_109 : memref<16x1024xf32, #tpu.memory_space<hbm>>) dst(%arg10 : memref<16x1024xf32, #tpu.memory_space<vmem>>)
    %get3A_110 = arith.constant 32 : index
    %get3A_111 = tpu.vector_load %arg7[%get3A_110] {strides = array<i32>} : memref<128xi32, #tpu.memory_space<vmem>>, vector<16xi32>,
    %add3A_112 = arith.constant 0 : i32
    %add3A_113 = vector.broadcast %add3A_112 : i32 to vector<16xi32>
    %add3A_114 = arith.addi %iota3A, %add3A_113 : vector<16xi32>
    %gather3A_115 = tpu.vector_load_idx %arg10[%add3A_114, %get3A_111] : memref<16x1024xf32, #tpu.memory_space<vmem>>[vector<16xi32>, vector<16xi32>], vector<16xf32>,
    %get3A_116 = arith.constant 32 : index
    %get3A_117 = tpu.vector_load %arg12[%get3A_116] {strides = array<i32>} : memref<128xf32, #tpu.memory_space<vmem>>, vector<16xf32>,
    %mul3A_118 = arith.mulf %gather3A_115, %get3A_117 : vector<16xf32>
    %get3A_119 = arith.constant 32 : index
    %get3A_120 = tpu.vector_load %arg13[%get3A_119] {strides = array<i32>} : memref<128xf32, #tpu.memory_space<vmem>>, vector<16xf32>,
    %add3A_121 = arith.addf %mul3A_118, %get3A_120 : vector<16xf32>
    %swap3A_122 = arith.constant 32 : index
    %swap3A_123 = tpu.vector_load %arg14[%swap3A_122] {strides = array<i32>} : memref<128xf32, #tpu.memory_space<vmem>>, vector<16xf32>,
    tpu.vector_store %arg14[%swap3A_122], %add3A_121 {strides = array<i32>} : memref<128xf32, #tpu.memory_space<vmem>>, vector<16xf32>,
    %add3A_124 = arith.constant 96 : i32
    %add3A_125 = arith.addi %add3A_4, %add3A_124 : i32
    %dma_start3A_126 = arith.constant 0 : i32
    %dma_start3A_127 = tpu.memref_slice %arg2[%add3A_125, %dma_start3A_126] : memref<16384x1024xf32, #tpu.memory_space<hbm>> -> memref<16x1024xf32, #tpu.memory_space<hbm>>
    %dma_start3A_128 = arith.constant 0 : i32
    %dma_start3A_129 = tpu.memref_slice %arg2[%add3A_125, %dma_start3A_128] : memref<16384x1024xf32, #tpu.memory_space<hbm>> -> memref<16x1024xf32, #tpu.memory_space<hbm>>
    tpu.enqueue_dma source(%dma_start3A_129 : memref<16x1024xf32, #tpu.memory_space<hbm>>) target(%arg10 : memref<16x1024xf32, #tpu.memory_space<vmem>>) target_semaphore(%arg17 : memref<!tpu.dma_semaphore, #tpu.memory_space<semaphore_mem>>)
    %dma_wait3A_130 = arith.constant 0 : i32
    %dma_wait3A_131 = tpu.memref_slice %arg2[%add3A_57, %dma_wait3A_130] : memref<16384x1024xf32, #tpu.memory_space<hbm>> -> memref<16x1024xf32, #tpu.memory_space<hbm>>
    %dma_wait3A_132 = arith.constant 0 : i32
    %dma_wait3A_133 = tpu.memref_slice %arg2[%add3A_57, %dma_wait3A_132] : memref<16384x1024xf32, #tpu.memory_space<hbm>> -> memref<16x1024xf32, #tpu.memory_space<hbm>>
    tpu.wait_dma2 semaphore(%arg18 : memref<!tpu.dma_semaphore, #tpu.memory_space<semaphore_mem>>) src(%dma_wait3A_133 : memref<16x1024xf32, #tpu.memory_space<hbm>>) dst(%arg11 : memref<16x1024xf32, #tpu.memory_space<vmem>>)
    %get3A_134 = arith.constant 48 : index
    %get3A_135 = tpu.vector_load %arg7[%get3A_134] {strides = array<i32>} : memref<128xi32, #tpu.memory_space<vmem>>, vector<16xi32>,
    %add3A_136 = arith.constant 0 : i32
    %add3A_137 = vector.broadcast %add3A_136 : i32 to vector<16xi32>
    %add3A_138 = arith.addi %iota3A, %add3A_137 : vector<16xi32>
    %gather3A_139 = tpu.vector_load_idx %arg11[%add3A_138, %get3A_135] : memref<16x1024xf32, #tpu.memory_space<vmem>>[vector<16xi32>, vector<16xi32>], vector<16xf32>,
    %get3A_140 = arith.constant 48 : index
    %get3A_141 = tpu.vector_load %arg12[%get3A_140] {strides = array<i32>} : memref<128xf32, #tpu.memory_space<vmem>>, vector<16xf32>,
    %mul3A_142 = arith.mulf %gather3A_139, %get3A_141 : vector<16xf32>
    %get3A_143 = arith.constant 48 : index
    %get3A_144 = tpu.vector_load %arg13[%get3A_143] {strides = array<i32>} : memref<128xf32, #tpu.memory_space<vmem>>, vector<16xf32>,
    %add3A_145 = arith.addf %mul3A_142, %get3A_144 : vector<16xf32>
    %swap3A_146 = arith.constant 48 : index
    %swap3A_147 = tpu.vector_load %arg14[%swap3A_146] {strides = array<i32>} : memref<128xf32, #tpu.memory_space<vmem>>, vector<16xf32>,
    tpu.vector_store %arg14[%swap3A_146], %add3A_145 {strides = array<i32>} : memref<128xf32, #tpu.memory_space<vmem>>, vector<16xf32>,
    %add3A_148 = arith.constant 112 : i32
    %add3A_149 = arith.addi %add3A_4, %add3A_148 : i32
    %dma_start3A_150 = arith.constant 0 : i32
    %dma_start3A_151 = tpu.memref_slice %arg2[%add3A_149, %dma_start3A_150] : memref<16384x1024xf32, #tpu.memory_space<hbm>> -> memref<16x1024xf32, #tpu.memory_space<hbm>>
    %dma_start3A_152 = arith.constant 0 : i32
    %dma_start3A_153 = tpu.memref_slice %arg2[%add3A_149, %dma_start3A_152] : memref<16384x1024xf32, #tpu.memory_space<hbm>> -> memref<16x1024xf32, #tpu.memory_space<hbm>>
    tpu.enqueue_dma source(%dma_start3A_153 : memref<16x1024xf32, #tpu.memory_space<hbm>>) target(%arg11 : memref<16x1024xf32, #tpu.memory_space<vmem>>) target_semaphore(%arg18 : memref<!tpu.dma_semaphore, #tpu.memory_space<semaphore_mem>>)
    %dma_wait3A_154 = arith.constant 0 : i32
    %dma_wait3A_155 = tpu.memref_slice %arg2[%add3A_77, %dma_wait3A_154] : memref<16384x1024xf32, #tpu.memory_space<hbm>> -> memref<16x1024xf32, #tpu.memory_space<hbm>>
    %dma_wait3A_156 = arith.constant 0 : i32
    %dma_wait3A_157 = tpu.memref_slice %arg2[%add3A_77, %dma_wait3A_156] : memref<16384x1024xf32, #tpu.memory_space<hbm>> -> memref<16x1024xf32, #tpu.memory_space<hbm>>
    tpu.wait_dma2 semaphore(%arg15 : memref<!tpu.dma_semaphore, #tpu.memory_space<semaphore_mem>>) src(%dma_wait3A_157 : memref<16x1024xf32, #tpu.memory_space<hbm>>) dst(%arg8 : memref<16x1024xf32, #tpu.memory_space<vmem>>)
    %get3A_158 = arith.constant 64 : index
    %get3A_159 = tpu.vector_load %arg7[%get3A_158] {strides = array<i32>} : memref<128xi32, #tpu.memory_space<vmem>>, vector<16xi32>,
    %add3A_160 = arith.constant 0 : i32
    %add3A_161 = vector.broadcast %add3A_160 : i32 to vector<16xi32>
    %add3A_162 = arith.addi %iota3A, %add3A_161 : vector<16xi32>
    %gather3A_163 = tpu.vector_load_idx %arg8[%add3A_162, %get3A_159] : memref<16x1024xf32, #tpu.memory_space<vmem>>[vector<16xi32>, vector<16xi32>], vector<16xf32>,
    %get3A_164 = arith.constant 64 : index
    %get3A_165 = tpu.vector_load %arg12[%get3A_164] {strides = array<i32>} : memref<128xf32, #tpu.memory_space<vmem>>, vector<16xf32>,
    %mul3A_166 = arith.mulf %gather3A_163, %get3A_165 : vector<16xf32>
    %get3A_167 = arith.constant 64 : index
    %get3A_168 = tpu.vector_load %arg13[%get3A_167] {strides = array<i32>} : memref<128xf32, #tpu.memory_space<vmem>>, vector<16xf32>,
    %add3A_169 = arith.addf %mul3A_166, %get3A_168 : vector<16xf32>
    %swap3A_170 = arith.constant 64 : index
    %swap3A_171 = tpu.vector_load %arg14[%swap3A_170] {strides = array<i32>} : memref<128xf32, #tpu.memory_space<vmem>>, vector<16xf32>,
    tpu.vector_store %arg14[%swap3A_170], %add3A_169 {strides = array<i32>} : memref<128xf32, #tpu.memory_space<vmem>>, vector<16xf32>,
    %dma_wait3A_172 = arith.constant 0 : i32
    %dma_wait3A_173 = tpu.memref_slice %arg2[%add3A_101, %dma_wait3A_172] : memref<16384x1024xf32, #tpu.memory_space<hbm>> -> memref<16x1024xf32, #tpu.memory_space<hbm>>
    %dma_wait3A_174 = arith.constant 0 : i32
    %dma_wait3A_175 = tpu.memref_slice %arg2[%add3A_101, %dma_wait3A_174] : memref<16384x1024xf32, #tpu.memory_space<hbm>> -> memref<16x1024xf32, #tpu.memory_space<hbm>>
    tpu.wait_dma2 semaphore(%arg16 : memref<!tpu.dma_semaphore, #tpu.memory_space<semaphore_mem>>) src(%dma_wait3A_175 : memref<16x1024xf32, #tpu.memory_space<hbm>>) dst(%arg9 : memref<16x1024xf32, #tpu.memory_space<vmem>>)
    %get3A_176 = arith.constant 80 : index
    %get3A_177 = tpu.vector_load %arg7[%get3A_176] {strides = array<i32>} : memref<128xi32, #tpu.memory_space<vmem>>, vector<16xi32>,
    %add3A_178 = arith.constant 0 : i32
    %add3A_179 = vector.broadcast %add3A_178 : i32 to vector<16xi32>
    %add3A_180 = arith.addi %iota3A, %add3A_179 : vector<16xi32>
    %gather3A_181 = tpu.vector_load_idx %arg9[%add3A_180, %get3A_177] : memref<16x1024xf32, #tpu.memory_space<vmem>>[vector<16xi32>, vector<16xi32>], vector<16xf32>,
    %get3A_182 = arith.constant 80 : index
    %get3A_183 = tpu.vector_load %arg12[%get3A_182] {strides = array<i32>} : memref<128xf32, #tpu.memory_space<vmem>>, vector<16xf32>,
    %mul3A_184 = arith.mulf %gather3A_181, %get3A_183 : vector<16xf32>
    %get3A_185 = arith.constant 80 : index
    %get3A_186 = tpu.vector_load %arg13[%get3A_185] {strides = array<i32>} : memref<128xf32, #tpu.memory_space<vmem>>, vector<16xf32>,
    %add3A_187 = arith.addf %mul3A_184, %get3A_186 : vector<16xf32>
    %swap3A_188 = arith.constant 80 : index
    %swap3A_189 = tpu.vector_load %arg14[%swap3A_188] {strides = array<i32>} : memref<128xf32, #tpu.memory_space<vmem>>, vector<16xf32>,
    tpu.vector_store %arg14[%swap3A_188], %add3A_187 {strides = array<i32>} : memref<128xf32, #tpu.memory_space<vmem>>, vector<16xf32>,
    %dma_wait3A_190 = arith.constant 0 : i32
    %dma_wait3A_191 = tpu.memref_slice %arg2[%add3A_125, %dma_wait3A_190] : memref<16384x1024xf32, #tpu.memory_space<hbm>> -> memref<16x1024xf32, #tpu.memory_space<hbm>>
    %dma_wait3A_192 = arith.constant 0 : i32
    %dma_wait3A_193 = tpu.memref_slice %arg2[%add3A_125, %dma_wait3A_192] : memref<16384x1024xf32, #tpu.memory_space<hbm>> -> memref<16x1024xf32, #tpu.memory_space<hbm>>
    tpu.wait_dma2 semaphore(%arg17 : memref<!tpu.dma_semaphore, #tpu.memory_space<semaphore_mem>>) src(%dma_wait3A_193 : memref<16x1024xf32, #tpu.memory_space<hbm>>) dst(%arg10 : memref<16x1024xf32, #tpu.memory_space<vmem>>)
    %get3A_194 = arith.constant 96 : index
    %get3A_195 = tpu.vector_load %arg7[%get3A_194] {strides = array<i32>} : memref<128xi32, #tpu.memory_space<vmem>>, vector<16xi32>,
    %add3A_196 = arith.constant 0 : i32
    %add3A_197 = vector.broadcast %add3A_196 : i32 to vector<16xi32>
    %add3A_198 = arith.addi %iota3A, %add3A_197 : vector<16xi32>
    %gather3A_199 = tpu.vector_load_idx %arg10[%add3A_198, %get3A_195] : memref<16x1024xf32, #tpu.memory_space<vmem>>[vector<16xi32>, vector<16xi32>], vector<16xf32>,
    %get3A_200 = arith.constant 96 : index
    %get3A_201 = tpu.vector_load %arg12[%get3A_200] {strides = array<i32>} : memref<128xf32, #tpu.memory_space<vmem>>, vector<16xf32>,
    %mul3A_202 = arith.mulf %gather3A_199, %get3A_201 : vector<16xf32>
    %get3A_203 = arith.constant 96 : index
    %get3A_204 = tpu.vector_load %arg13[%get3A_203] {strides = array<i32>} : memref<128xf32, #tpu.memory_space<vmem>>, vector<16xf32>,
    %add3A_205 = arith.addf %mul3A_202, %get3A_204 : vector<16xf32>
    %swap3A_206 = arith.constant 96 : index
    %swap3A_207 = tpu.vector_load %arg14[%swap3A_206] {strides = array<i32>} : memref<128xf32, #tpu.memory_space<vmem>>, vector<16xf32>,
    tpu.vector_store %arg14[%swap3A_206], %add3A_205 {strides = array<i32>} : memref<128xf32, #tpu.memory_space<vmem>>, vector<16xf32>,
    %dma_wait3A_208 = arith.constant 0 : i32
    %dma_wait3A_209 = tpu.memref_slice %arg2[%add3A_149, %dma_wait3A_208] : memref<16384x1024xf32, #tpu.memory_space<hbm>> -> memref<16x1024xf32, #tpu.memory_space<hbm>>
    %dma_wait3A_210 = arith.constant 0 : i32
    %dma_wait3A_211 = tpu.memref_slice %arg2[%add3A_149, %dma_wait3A_210] : memref<16384x1024xf32, #tpu.memory_space<hbm>> -> memref<16x1024xf32, #tpu.memory_space<hbm>>
    tpu.wait_dma2 semaphore(%arg18 : memref<!tpu.dma_semaphore, #tpu.memory_space<semaphore_mem>>) src(%dma_wait3A_211 : memref<16x1024xf32, #tpu.memory_space<hbm>>) dst(%arg11 : memref<16x1024xf32, #tpu.memory_space<vmem>>)
    %get3A_212 = arith.constant 112 : index
    %get3A_213 = tpu.vector_load %arg7[%get3A_212] {strides = array<i32>} : memref<128xi32, #tpu.memory_space<vmem>>, vector<16xi32>,
    %add3A_214 = arith.constant 0 : i32
    %add3A_215 = vector.broadcast %add3A_214 : i32 to vector<16xi32>
    %add3A_216 = arith.addi %iota3A, %add3A_215 : vector<16xi32>
    %gather3A_217 = tpu.vector_load_idx %arg11[%add3A_216, %get3A_213] : memref<16x1024xf32, #tpu.memory_space<vmem>>[vector<16xi32>, vector<16xi32>], vector<16xf32>,
    %get3A_218 = arith.constant 112 : index
    %get3A_219 = tpu.vector_load %arg12[%get3A_218] {strides = array<i32>} : memref<128xf32, #tpu.memory_space<vmem>>, vector<16xf32>,
    %mul3A_220 = arith.mulf %gather3A_217, %get3A_219 : vector<16xf32>
    %get3A_221 = arith.constant 112 : index
    %get3A_222 = tpu.vector_load %arg13[%get3A_221] {strides = array<i32>} : memref<128xf32, #tpu.memory_space<vmem>>, vector<16xf32>,
    %add3A_223 = arith.addf %mul3A_220, %get3A_222 : vector<16xf32>
    %swap3A_224 = arith.constant 112 : index
    %swap3A_225 = tpu.vector_load %arg14[%swap3A_224] {strides = array<i32>} : memref<128xf32, #tpu.memory_space<vmem>>, vector<16xf32>,
    tpu.vector_store %arg14[%swap3A_224], %add3A_223 {strides = array<i32>} : memref<128xf32, #tpu.memory_space<vmem>>, vector<16xf32>,
    "tpu.region"() ({
      %run_scoped3A_226 = tpu.sem_alloc : memref<!tpu.dma_semaphore, #tpu.memory_space<semaphore_mem>>
      %dma_start3A_227 = tpu.memref_slice %arg6[%mul3A_2] : memref<4096xf32, #tpu.memory_space<hbm>> -> memref<128xf32, #tpu.memory_space<hbm>>
      %dma_start3A_228 = tpu.memref_slice %arg6[%mul3A_2] : memref<4096xf32, #tpu.memory_space<hbm>> -> memref<128xf32, #tpu.memory_space<hbm>>
      tpu.enqueue_dma source(%arg14 : memref<128xf32, #tpu.memory_space<vmem>>) target(%dma_start3A_228 : memref<128xf32, #tpu.memory_space<hbm>>) target_semaphore(%run_scoped3A_226 : memref<!tpu.dma_semaphore, #tpu.memory_space<semaphore_mem>>)
      %dma_wait3A_229 = tpu.memref_slice %arg6[%mul3A_2] : memref<4096xf32, #tpu.memory_space<hbm>> -> memref<128xf32, #tpu.memory_space<hbm>>
      %dma_wait3A_230 = tpu.memref_slice %arg6[%mul3A_2] : memref<4096xf32, #tpu.memory_space<hbm>> -> memref<128xf32, #tpu.memory_space<hbm>>
      tpu.wait_dma2 semaphore(%run_scoped3A_226 : memref<!tpu.dma_semaphore, #tpu.memory_space<semaphore_mem>>) src(%arg14 : memref<128xf32, #tpu.memory_space<vmem>>) dst(%dma_wait3A_230 : memref<128xf32, #tpu.memory_space<hbm>>)
      tpu.yield
    }) : () -> ()
    return
  }
}

module attributes {stable_mosaic.version = 14 : i64} {
  func.func @_argmax_body(%arg0: i32, %arg1: memref<1024x1024xf32, #tpu.memory_space<vmem>>, %arg2: memref<1024x1xf32, #tpu.memory_space<vmem>>, %arg3: memref<1024x1xf32, #tpu.memory_space<vmem>>, %arg4: memref<1x1x1024xi32, #tpu.memory_space<vmem>>, %arg5: memref<1x1x1024xf32, #tpu.memory_space<vmem>>, %arg6: memref<1x1x1024xf32, #tpu.memory_space<vmem>>) attributes {dimension_semantics = [#tpu.dimension_semantics<arbitrary>], iteration_bounds = array<i64: 4>, scalar_prefetch = 0 : i64, scratch_operands = 0 : i64, tpu.core_type = #tpu.core_type<tc>, window_params = [{transform_indices = @transform_0, window_bounds = array<i64: 1024, 1024>}, {transform_indices = @transform_1, window_bounds = array<i64: 1024, 1>}, {transform_indices = @transform_2, window_bounds = array<i64: 1024, 1>}, {transform_indices = @transform_3, window_bounds = array<i64: 1, 1, 1024>}, {transform_indices = @transform_4, window_bounds = array<i64: 1, 1, 1024>}, {transform_indices = @transform_5, window_bounds = array<i64: 1, 1, 1024>}]} {
    %get3A = arith.constant 0 : index
    %get3A_0 = arith.constant 0 : index
    %get3A_1 = vector.load %arg1[%get3A, %get3A_0] : memref<1024x1024xf32, #tpu.memory_space<vmem>>, vector<1024x1024xf32>
    %reduce_max3A = arith.constant dense<0xFF800000> : vector<1024xf32>
    %reduce_max3A_2 = vector.multi_reduction <maximumf>, %get3A_1, %reduce_max3A [1] : vector<1024x1024xf32> to vector<1024xf32>
    %broadcast_in_dim3A = vector.shape_cast %reduce_max3A_2 : vector<1024xf32> to vector<1024x1xf32>
    %iota3A = tpu.iota {dimensions = array<i32: 1>} : vector<1024x1024xi32>
    %eq3A = vector.broadcast %broadcast_in_dim3A : vector<1024x1xf32> to vector<1024x1024xf32>
    %eq3A_3 = arith.cmpf oeq, %get3A_1, %eq3A : vector<1024x1024xf32>
    %jit3A = arith.constant 1073741824 : i32
    %broadcast_in_dim3A_4 = vector.broadcast %jit3A : i32 to vector<1024x1024xi32>
    %select_n3A = arith.select %eq3A_3, %iota3A, %broadcast_in_dim3A_4 : vector<1024x1024xi1>, vector<1024x1024xi32>
    %reduce_min3A = arith.constant dense<2147483647> : vector<1024xi32>
    %reduce_min3A_5 = vector.multi_reduction <minsi>, %select_n3A, %reduce_min3A [1] : vector<1024x1024xi32> to vector<1024xi32>
    %swap3A = arith.constant 0 : index
    %swap3A_6 = arith.constant 0 : index
    %swap3A_7 = arith.constant 0 : index
    %swap3A_8 = vector.load %arg4[%swap3A, %swap3A_6, %swap3A_7] : memref<1x1x1024xi32, #tpu.memory_space<vmem>>, vector<1x1x1024xi32>
    %swap3A_9 = vector.shape_cast %swap3A_8 : vector<1x1x1024xi32> to vector<1024xi32>
    %swap3A_10 = vector.shape_cast %reduce_min3A_5 : vector<1024xi32> to vector<1x1x1024xi32>
    tpu.vector_store %arg4[%swap3A, %swap3A_6, %swap3A_7], %swap3A_10 {strides = array<i32>} : memref<1x1x1024xi32, #tpu.memory_space<vmem>>, vector<1x1x1024xi32>,
    %get3A_11 = arith.constant 0 : index
    %get3A_12 = arith.constant 0 : index
    %get3A_13 = vector.load %arg3[%get3A_11, %get3A_12] : memref<1024x1xf32, #tpu.memory_space<vmem>>, vector<1024x1xf32>
    %get3A_14 = arith.constant 0 : index
    %get3A_15 = arith.constant 0 : index
    %get3A_16 = vector.load %arg2[%get3A_14, %get3A_15] : memref<1024x1xf32, #tpu.memory_space<vmem>>, vector<1024x1xf32>
    %ne3A = arith.constant 0.000000e+00 : f32
    %ne3A_17 = vector.broadcast %ne3A : f32 to vector<1024x1xf32>
    %ne3A_18 = arith.cmpf one, %get3A_13, %ne3A_17 : vector<1024x1xf32>
    %jit3A_19 = arith.constant 0.000000e+00 : f32
    %jit3A_20 = arith.constant 9.900000e-01 : f32
    %broadcast_in_dim3A_21 = vector.broadcast %jit3A_19 : f32 to vector<1024x1xf32>
    %broadcast_in_dim3A_22 = vector.broadcast %jit3A_20 : f32 to vector<1024x1xf32>
    %select_n3A_23 = arith.select %ne3A_18, %broadcast_in_dim3A_21, %broadcast_in_dim3A_22 : vector<1024x1xi1>, vector<1024x1xf32>
    %squeeze3A = vector.shape_cast %select_n3A_23 : vector<1024x1xf32> to vector<1024xf32>
    %swap3A_24 = arith.constant 0 : index
    %swap3A_25 = arith.constant 0 : index
    %swap3A_26 = arith.constant 0 : index
    %swap3A_27 = vector.load %arg5[%swap3A_24, %swap3A_25, %swap3A_26] : memref<1x1x1024xf32, #tpu.memory_space<vmem>>, vector<1x1x1024xf32>
    %swap3A_28 = vector.shape_cast %swap3A_27 : vector<1x1x1024xf32> to vector<1024xf32>
    %swap3A_29 = vector.shape_cast %squeeze3A : vector<1024xf32> to vector<1x1x1024xf32>
    tpu.vector_store %arg5[%swap3A_24, %swap3A_25, %swap3A_26], %swap3A_29 {strides = array<i32>} : memref<1x1x1024xf32, #tpu.memory_space<vmem>>, vector<1x1x1024xf32>,
    %squeeze3A_30 = vector.shape_cast %get3A_16 : vector<1024x1xf32> to vector<1024xf32>
    %swap3A_31 = arith.constant 0 : index
    %swap3A_32 = arith.constant 0 : index
    %swap3A_33 = arith.constant 0 : index
    %swap3A_34 = vector.load %arg6[%swap3A_31, %swap3A_32, %swap3A_33] : memref<1x1x1024xf32, #tpu.memory_space<vmem>>, vector<1x1x1024xf32>
    %swap3A_35 = vector.shape_cast %swap3A_34 : vector<1x1x1024xf32> to vector<1024xf32>
    %swap3A_36 = vector.shape_cast %squeeze3A_30 : vector<1024xf32> to vector<1x1x1024xf32>
    tpu.vector_store %arg6[%swap3A_31, %swap3A_32, %swap3A_33], %swap3A_36 {strides = array<i32>} : memref<1x1x1024xf32, #tpu.memory_space<vmem>>, vector<1x1x1024xf32>,
    return
  }
  func.func @transform_0(%arg0: i32) -> (i32, i32) {
    %add3A = arith.constant 8 : i32
    %add3A_0 = arith.addi %add3A, %arg0 : i32
    %c0_i32 = arith.constant 0 : i32
    %c0_i32_1 = arith.constant 0 : i32
    return %add3A_0, %c0_i32 : i32, i32
  }
  func.func @transform_1(%arg0: i32) -> (i32, i32) {
    %add3A = arith.constant 8 : i32
    %add3A_0 = arith.addi %add3A, %arg0 : i32
    %c0_i32 = arith.constant 0 : i32
    %c0_i32_1 = arith.constant 0 : i32
    return %add3A_0, %c0_i32 : i32, i32
  }
  func.func @transform_2(%arg0: i32) -> (i32, i32) {
    %add3A = arith.constant 8 : i32
    %add3A_0 = arith.addi %add3A, %arg0 : i32
    %c0_i32 = arith.constant 0 : i32
    %c0_i32_1 = arith.constant 0 : i32
    return %add3A_0, %c0_i32 : i32, i32
  }
  func.func @transform_3(%arg0: i32) -> (i32, i32, i32) {
    %c0_i32 = arith.constant 0 : i32
    %c0_i32_0 = arith.constant 0 : i32
    %c0_i32_1 = arith.constant 0 : i32
    return %arg0, %c0_i32, %c0_i32_0 : i32, i32, i32
  }
  func.func @transform_4(%arg0: i32) -> (i32, i32, i32) {
    %c0_i32 = arith.constant 0 : i32
    %c0_i32_0 = arith.constant 0 : i32
    %c0_i32_1 = arith.constant 0 : i32
    return %arg0, %c0_i32, %c0_i32_0 : i32, i32, i32
  }
  func.func @transform_5(%arg0: i32) -> (i32, i32, i32) {
    %c0_i32 = arith.constant 0 : i32
    %c0_i32_0 = arith.constant 0 : i32
    %c0_i32_1 = arith.constant 0 : i32
    return %arg0, %c0_i32, %c0_i32_0 : i32, i32, i32
  }
}

module attributes {stable_mosaic.version = 14 : i64} {
  func.func @_argmax_body(%arg0: i32, %arg1: memref<1024x1024xf32, #tpu.memory_space<vmem>>, %arg2: memref<1024x1xf32, #tpu.memory_space<vmem>>, %arg3: memref<1024x1xf32, #tpu.memory_space<vmem>>, %arg4: memref<1x1x1024xi32, #tpu.memory_space<vmem>>, %arg5: memref<1x1x1024xf32, #tpu.memory_space<vmem>>, %arg6: memref<1x1x1024xf32, #tpu.memory_space<vmem>>) attributes {dimension_semantics = [#tpu.dimension_semantics<arbitrary>], iteration_bounds = array<i64: 4>, scalar_prefetch = 0 : i64, scratch_operands = 0 : i64, tpu.core_type = #tpu.core_type<tc>, window_params = [{transform_indices = @transform_0, window_bounds = array<i64: 1024, 1024>}, {transform_indices = @transform_1, window_bounds = array<i64: 1024, 1>}, {transform_indices = @transform_2, window_bounds = array<i64: 1024, 1>}, {transform_indices = @transform_3, window_bounds = array<i64: 1, 1, 1024>}, {transform_indices = @transform_4, window_bounds = array<i64: 1, 1, 1024>}, {transform_indices = @transform_5, window_bounds = array<i64: 1, 1, 1024>}]} {
    %get3A = arith.constant 0 : index
    %get3A_0 = arith.constant 0 : index
    %get3A_1 = vector.load %arg1[%get3A, %get3A_0] : memref<1024x1024xf32, #tpu.memory_space<vmem>>, vector<1024x1024xf32>
    %reduce_max3A = arith.constant dense<0xFF800000> : vector<1024xf32>
    %reduce_max3A_2 = vector.multi_reduction <maximumf>, %get3A_1, %reduce_max3A [1] : vector<1024x1024xf32> to vector<1024xf32>
    %broadcast_in_dim3A = vector.shape_cast %reduce_max3A_2 : vector<1024xf32> to vector<1024x1xf32>
    %iota3A = tpu.iota {dimensions = array<i32: 1>} : vector<1024x1024xi32>
    %eq3A = vector.broadcast %broadcast_in_dim3A : vector<1024x1xf32> to vector<1024x1024xf32>
    %eq3A_3 = arith.cmpf oeq, %get3A_1, %eq3A : vector<1024x1024xf32>
    %jit3A = arith.constant 1073741824 : i32
    %broadcast_in_dim3A_4 = vector.broadcast %jit3A : i32 to vector<1024x1024xi32>
    %select_n3A = arith.select %eq3A_3, %iota3A, %broadcast_in_dim3A_4 : vector<1024x1024xi1>, vector<1024x1024xi32>
    %reduce_min3A = arith.constant dense<2147483647> : vector<1024xi32>
    %reduce_min3A_5 = vector.multi_reduction <minsi>, %select_n3A, %reduce_min3A [1] : vector<1024x1024xi32> to vector<1024xi32>
    %swap3A = arith.constant 0 : index
    %swap3A_6 = arith.constant 0 : index
    %swap3A_7 = arith.constant 0 : index
    %swap3A_8 = vector.load %arg4[%swap3A, %swap3A_6, %swap3A_7] : memref<1x1x1024xi32, #tpu.memory_space<vmem>>, vector<1x1x1024xi32>
    %swap3A_9 = vector.shape_cast %swap3A_8 : vector<1x1x1024xi32> to vector<1024xi32>
    %swap3A_10 = vector.shape_cast %reduce_min3A_5 : vector<1024xi32> to vector<1x1x1024xi32>
    tpu.vector_store %arg4[%swap3A, %swap3A_6, %swap3A_7], %swap3A_10 {strides = array<i32>} : memref<1x1x1024xi32, #tpu.memory_space<vmem>>, vector<1x1x1024xi32>,
    %get3A_11 = arith.constant 0 : index
    %get3A_12 = arith.constant 0 : index
    %get3A_13 = vector.load %arg3[%get3A_11, %get3A_12] : memref<1024x1xf32, #tpu.memory_space<vmem>>, vector<1024x1xf32>
    %get3A_14 = arith.constant 0 : index
    %get3A_15 = arith.constant 0 : index
    %get3A_16 = vector.load %arg2[%get3A_14, %get3A_15] : memref<1024x1xf32, #tpu.memory_space<vmem>>, vector<1024x1xf32>
    %ne3A = arith.constant 0.000000e+00 : f32
    %ne3A_17 = vector.broadcast %ne3A : f32 to vector<1024x1xf32>
    %ne3A_18 = arith.cmpf one, %get3A_13, %ne3A_17 : vector<1024x1xf32>
    %jit3A_19 = arith.constant 0.000000e+00 : f32
    %jit3A_20 = arith.constant 9.900000e-01 : f32
    %broadcast_in_dim3A_21 = vector.broadcast %jit3A_19 : f32 to vector<1024x1xf32>
    %broadcast_in_dim3A_22 = vector.broadcast %jit3A_20 : f32 to vector<1024x1xf32>
    %select_n3A_23 = arith.select %ne3A_18, %broadcast_in_dim3A_21, %broadcast_in_dim3A_22 : vector<1024x1xi1>, vector<1024x1xf32>
    %squeeze3A = vector.shape_cast %select_n3A_23 : vector<1024x1xf32> to vector<1024xf32>
    %swap3A_24 = arith.constant 0 : index
    %swap3A_25 = arith.constant 0 : index
    %swap3A_26 = arith.constant 0 : index
    %swap3A_27 = vector.load %arg5[%swap3A_24, %swap3A_25, %swap3A_26] : memref<1x1x1024xf32, #tpu.memory_space<vmem>>, vector<1x1x1024xf32>
    %swap3A_28 = vector.shape_cast %swap3A_27 : vector<1x1x1024xf32> to vector<1024xf32>
    %swap3A_29 = vector.shape_cast %squeeze3A : vector<1024xf32> to vector<1x1x1024xf32>
    tpu.vector_store %arg5[%swap3A_24, %swap3A_25, %swap3A_26], %swap3A_29 {strides = array<i32>} : memref<1x1x1024xf32, #tpu.memory_space<vmem>>, vector<1x1x1024xf32>,
    %squeeze3A_30 = vector.shape_cast %get3A_16 : vector<1024x1xf32> to vector<1024xf32>
    %swap3A_31 = arith.constant 0 : index
    %swap3A_32 = arith.constant 0 : index
    %swap3A_33 = arith.constant 0 : index
    %swap3A_34 = vector.load %arg6[%swap3A_31, %swap3A_32, %swap3A_33] : memref<1x1x1024xf32, #tpu.memory_space<vmem>>, vector<1x1x1024xf32>
    %swap3A_35 = vector.shape_cast %swap3A_34 : vector<1x1x1024xf32> to vector<1024xf32>
    %swap3A_36 = vector.shape_cast %squeeze3A_30 : vector<1024xf32> to vector<1x1x1024xf32>
    tpu.vector_store %arg6[%swap3A_31, %swap3A_32, %swap3A_33], %swap3A_36 {strides = array<i32>} : memref<1x1x1024xf32, #tpu.memory_space<vmem>>, vector<1x1x1024xf32>,
    return
  }
  func.func @transform_0(%arg0: i32) -> (i32, i32) {
    %add3A = arith.constant 4 : i32
    %add3A_0 = arith.addi %add3A, %arg0 : i32
    %c0_i32 = arith.constant 0 : i32
    %c0_i32_1 = arith.constant 0 : i32
    return %add3A_0, %c0_i32 : i32, i32
  }
  func.func @transform_1(%arg0: i32) -> (i32, i32) {
    %add3A = arith.constant 4 : i32
    %add3A_0 = arith.addi %add3A, %arg0 : i32
    %c0_i32 = arith.constant 0 : i32
    %c0_i32_1 = arith.constant 0 : i32
    return %add3A_0, %c0_i32 : i32, i32
  }
  func.func @transform_2(%arg0: i32) -> (i32, i32) {
    %add3A = arith.constant 4 : i32
    %add3A_0 = arith.addi %add3A, %arg0 : i32
    %c0_i32 = arith.constant 0 : i32
    %c0_i32_1 = arith.constant 0 : i32
    return %add3A_0, %c0_i32 : i32, i32
  }
  func.func @transform_3(%arg0: i32) -> (i32, i32, i32) {
    %c0_i32 = arith.constant 0 : i32
    %c0_i32_0 = arith.constant 0 : i32
    %c0_i32_1 = arith.constant 0 : i32
    return %arg0, %c0_i32, %c0_i32_0 : i32, i32, i32
  }
  func.func @transform_4(%arg0: i32) -> (i32, i32, i32) {
    %c0_i32 = arith.constant 0 : i32
    %c0_i32_0 = arith.constant 0 : i32
    %c0_i32_1 = arith.constant 0 : i32
    return %arg0, %c0_i32, %c0_i32_0 : i32, i32, i32
  }
  func.func @transform_5(%arg0: i32) -> (i32, i32, i32) {
    %c0_i32 = arith.constant 0 : i32
    %c0_i32_0 = arith.constant 0 : i32
    %c0_i32_1 = arith.constant 0 : i32
    return %arg0, %c0_i32, %c0_i32_0 : i32, i32, i32
  }
}

module attributes {stable_mosaic.version = 14 : i64} {
  func.func @_argmax_body(%arg0: i32, %arg1: memref<1024x1024xf32, #tpu.memory_space<vmem>>, %arg2: memref<1024x1xf32, #tpu.memory_space<vmem>>, %arg3: memref<1024x1xf32, #tpu.memory_space<vmem>>, %arg4: memref<1x1x1024xi32, #tpu.memory_space<vmem>>, %arg5: memref<1x1x1024xf32, #tpu.memory_space<vmem>>, %arg6: memref<1x1x1024xf32, #tpu.memory_space<vmem>>) attributes {dimension_semantics = [#tpu.dimension_semantics<arbitrary>], iteration_bounds = array<i64: 4>, scalar_prefetch = 0 : i64, scratch_operands = 0 : i64, tpu.core_type = #tpu.core_type<tc>, window_params = [{transform_indices = @transform_0, window_bounds = array<i64: 1024, 1024>}, {transform_indices = @transform_1, window_bounds = array<i64: 1024, 1>}, {transform_indices = @transform_2, window_bounds = array<i64: 1024, 1>}, {transform_indices = @transform_3, window_bounds = array<i64: 1, 1, 1024>}, {transform_indices = @transform_4, window_bounds = array<i64: 1, 1, 1024>}, {transform_indices = @transform_5, window_bounds = array<i64: 1, 1, 1024>}]} {
    %get3A = arith.constant 0 : index
    %get3A_0 = arith.constant 0 : index
    %get3A_1 = vector.load %arg1[%get3A, %get3A_0] : memref<1024x1024xf32, #tpu.memory_space<vmem>>, vector<1024x1024xf32>
    %reduce_max3A = arith.constant dense<0xFF800000> : vector<1024xf32>
    %reduce_max3A_2 = vector.multi_reduction <maximumf>, %get3A_1, %reduce_max3A [1] : vector<1024x1024xf32> to vector<1024xf32>
    %broadcast_in_dim3A = vector.shape_cast %reduce_max3A_2 : vector<1024xf32> to vector<1024x1xf32>
    %iota3A = tpu.iota {dimensions = array<i32: 1>} : vector<1024x1024xi32>
    %eq3A = vector.broadcast %broadcast_in_dim3A : vector<1024x1xf32> to vector<1024x1024xf32>
    %eq3A_3 = arith.cmpf oeq, %get3A_1, %eq3A : vector<1024x1024xf32>
    %jit3A = arith.constant 1073741824 : i32
    %broadcast_in_dim3A_4 = vector.broadcast %jit3A : i32 to vector<1024x1024xi32>
    %select_n3A = arith.select %eq3A_3, %iota3A, %broadcast_in_dim3A_4 : vector<1024x1024xi1>, vector<1024x1024xi32>
    %reduce_min3A = arith.constant dense<2147483647> : vector<1024xi32>
    %reduce_min3A_5 = vector.multi_reduction <minsi>, %select_n3A, %reduce_min3A [1] : vector<1024x1024xi32> to vector<1024xi32>
    %swap3A = arith.constant 0 : index
    %swap3A_6 = arith.constant 0 : index
    %swap3A_7 = arith.constant 0 : index
    %swap3A_8 = vector.load %arg4[%swap3A, %swap3A_6, %swap3A_7] : memref<1x1x1024xi32, #tpu.memory_space<vmem>>, vector<1x1x1024xi32>
    %swap3A_9 = vector.shape_cast %swap3A_8 : vector<1x1x1024xi32> to vector<1024xi32>
    %swap3A_10 = vector.shape_cast %reduce_min3A_5 : vector<1024xi32> to vector<1x1x1024xi32>
    tpu.vector_store %arg4[%swap3A, %swap3A_6, %swap3A_7], %swap3A_10 {strides = array<i32>} : memref<1x1x1024xi32, #tpu.memory_space<vmem>>, vector<1x1x1024xi32>,
    %get3A_11 = arith.constant 0 : index
    %get3A_12 = arith.constant 0 : index
    %get3A_13 = vector.load %arg3[%get3A_11, %get3A_12] : memref<1024x1xf32, #tpu.memory_space<vmem>>, vector<1024x1xf32>
    %get3A_14 = arith.constant 0 : index
    %get3A_15 = arith.constant 0 : index
    %get3A_16 = vector.load %arg2[%get3A_14, %get3A_15] : memref<1024x1xf32, #tpu.memory_space<vmem>>, vector<1024x1xf32>
    %ne3A = arith.constant 0.000000e+00 : f32
    %ne3A_17 = vector.broadcast %ne3A : f32 to vector<1024x1xf32>
    %ne3A_18 = arith.cmpf one, %get3A_13, %ne3A_17 : vector<1024x1xf32>
    %jit3A_19 = arith.constant 0.000000e+00 : f32
    %jit3A_20 = arith.constant 9.900000e-01 : f32
    %broadcast_in_dim3A_21 = vector.broadcast %jit3A_19 : f32 to vector<1024x1xf32>
    %broadcast_in_dim3A_22 = vector.broadcast %jit3A_20 : f32 to vector<1024x1xf32>
    %select_n3A_23 = arith.select %ne3A_18, %broadcast_in_dim3A_21, %broadcast_in_dim3A_22 : vector<1024x1xi1>, vector<1024x1xf32>
    %squeeze3A = vector.shape_cast %select_n3A_23 : vector<1024x1xf32> to vector<1024xf32>
    %swap3A_24 = arith.constant 0 : index
    %swap3A_25 = arith.constant 0 : index
    %swap3A_26 = arith.constant 0 : index
    %swap3A_27 = vector.load %arg5[%swap3A_24, %swap3A_25, %swap3A_26] : memref<1x1x1024xf32, #tpu.memory_space<vmem>>, vector<1x1x1024xf32>
    %swap3A_28 = vector.shape_cast %swap3A_27 : vector<1x1x1024xf32> to vector<1024xf32>
    %swap3A_29 = vector.shape_cast %squeeze3A : vector<1024xf32> to vector<1x1x1024xf32>
    tpu.vector_store %arg5[%swap3A_24, %swap3A_25, %swap3A_26], %swap3A_29 {strides = array<i32>} : memref<1x1x1024xf32, #tpu.memory_space<vmem>>, vector<1x1x1024xf32>,
    %squeeze3A_30 = vector.shape_cast %get3A_16 : vector<1024x1xf32> to vector<1024xf32>
    %swap3A_31 = arith.constant 0 : index
    %swap3A_32 = arith.constant 0 : index
    %swap3A_33 = arith.constant 0 : index
    %swap3A_34 = vector.load %arg6[%swap3A_31, %swap3A_32, %swap3A_33] : memref<1x1x1024xf32, #tpu.memory_space<vmem>>, vector<1x1x1024xf32>
    %swap3A_35 = vector.shape_cast %swap3A_34 : vector<1x1x1024xf32> to vector<1024xf32>
    %swap3A_36 = vector.shape_cast %squeeze3A_30 : vector<1024xf32> to vector<1x1x1024xf32>
    tpu.vector_store %arg6[%swap3A_31, %swap3A_32, %swap3A_33], %swap3A_36 {strides = array<i32>} : memref<1x1x1024xf32, #tpu.memory_space<vmem>>, vector<1x1x1024xf32>,
    return
  }
  func.func @transform_0(%arg0: i32) -> (i32, i32) {
    %add3A = arith.constant 0 : i32
    %add3A_0 = arith.addi %add3A, %arg0 : i32
    %c0_i32 = arith.constant 0 : i32
    %c0_i32_1 = arith.constant 0 : i32
    return %add3A_0, %c0_i32 : i32, i32
  }
  func.func @transform_1(%arg0: i32) -> (i32, i32) {
    %add3A = arith.constant 0 : i32
    %add3A_0 = arith.addi %add3A, %arg0 : i32
    %c0_i32 = arith.constant 0 : i32
    %c0_i32_1 = arith.constant 0 : i32
    return %add3A_0, %c0_i32 : i32, i32
  }
  func.func @transform_2(%arg0: i32) -> (i32, i32) {
    %add3A = arith.constant 0 : i32
    %add3A_0 = arith.addi %add3A, %arg0 : i32
    %c0_i32 = arith.constant 0 : i32
    %c0_i32_1 = arith.constant 0 : i32
    return %add3A_0, %c0_i32 : i32, i32
  }
  func.func @transform_3(%arg0: i32) -> (i32, i32, i32) {
    %c0_i32 = arith.constant 0 : i32
    %c0_i32_0 = arith.constant 0 : i32
    %c0_i32_1 = arith.constant 0 : i32
    return %arg0, %c0_i32, %c0_i32_0 : i32, i32, i32
  }
  func.func @transform_4(%arg0: i32) -> (i32, i32, i32) {
    %c0_i32 = arith.constant 0 : i32
    %c0_i32_0 = arith.constant 0 : i32
    %c0_i32_1 = arith.constant 0 : i32
    return %arg0, %c0_i32, %c0_i32_0 : i32, i32, i32
  }
  func.func @transform_5(%arg0: i32) -> (i32, i32, i32) {
    %c0_i32 = arith.constant 0 : i32
    %c0_i32_0 = arith.constant 0 : i32
    %c0_i32_1 = arith.constant 0 : i32
    return %arg0, %c0_i32, %c0_i32_0 : i32, i32, i32
  }
}

module attributes {stable_mosaic.version = 14 : i64} {
  func.func @_fused_body(%arg0: i32, %arg1: memref<1024x1024xf32, #tpu.memory_space<vmem>>, %arg2: memref<1024x1024xf32, #tpu.memory_space<vmem>>, %arg3: memref<1024x1xf32, #tpu.memory_space<vmem>>, %arg4: memref<1024x1xf32, #tpu.memory_space<vmem>>, %arg5: memref<1024x1xf32, #tpu.memory_space<vmem>>) attributes {dimension_semantics = [#tpu.dimension_semantics<arbitrary>], iteration_bounds = array<i64: 4>, scalar_prefetch = 0 : i64, scratch_operands = 0 : i64, tpu.core_type = #tpu.core_type<tc>, window_params = [{transform_indices = @transform_0, window_bounds = array<i64: 1024, 1024>}, {transform_indices = @transform_1, window_bounds = array<i64: 1024, 1024>}, {transform_indices = @transform_2, window_bounds = array<i64: 1024, 1>}, {transform_indices = @transform_3, window_bounds = array<i64: 1024, 1>}, {transform_indices = @transform_4, window_bounds = array<i64: 1024, 1>}]} {
    %get3A = arith.constant 0 : index
    %get3A_0 = arith.constant 0 : index
    %get3A_1 = vector.load %arg2[%get3A, %get3A_0] : memref<1024x1024xf32, #tpu.memory_space<vmem>>, vector<1024x1024xf32>
    %get3A_2 = arith.constant 0 : index
    %get3A_3 = arith.constant 0 : index
    %get3A_4 = vector.load %arg1[%get3A_2, %get3A_3] : memref<1024x1024xf32, #tpu.memory_space<vmem>>, vector<1024x1024xf32>
    %reduce_max3A = arith.constant dense<0xFF800000> : vector<1024xf32>
    %reduce_max3A_5 = vector.multi_reduction <maximumf>, %get3A_1, %reduce_max3A [1] : vector<1024x1024xf32> to vector<1024xf32>
    %broadcast_in_dim3A = vector.shape_cast %reduce_max3A_5 : vector<1024xf32> to vector<1024x1xf32>
    %iota3A = tpu.iota {dimensions = array<i32: 1>} : vector<1024x1024xi32>
    %eq3A = vector.broadcast %broadcast_in_dim3A : vector<1024x1xf32> to vector<1024x1024xf32>
    %eq3A_6 = arith.cmpf oeq, %get3A_1, %eq3A : vector<1024x1024xf32>
    %jit3A = arith.constant 1073741824 : i32
    %broadcast_in_dim3A_7 = vector.broadcast %jit3A : i32 to vector<1024x1024xi32>
    %select_n3A = arith.select %eq3A_6, %iota3A, %broadcast_in_dim3A_7 : vector<1024x1024xi1>, vector<1024x1024xi32>
    %reduce_min3A = arith.constant dense<2147483647> : vector<1024xi32>
    %reduce_min3A_8 = vector.multi_reduction <minsi>, %select_n3A, %reduce_min3A [1] : vector<1024x1024xi32> to vector<1024xi32>
    %broadcast_in_dim3A_9 = vector.shape_cast %reduce_min3A_8 : vector<1024xi32> to vector<1024x1xi32>
    %eq3A_10 = vector.broadcast %broadcast_in_dim3A_9 : vector<1024x1xi32> to vector<1024x1024xi32>
    %eq3A_11 = arith.cmpi eq, %select_n3A, %eq3A_10 : vector<1024x1024xi32>
    %jit3A_12 = arith.constant 0.000000e+00 : f32
    %broadcast_in_dim3A_13 = vector.broadcast %jit3A_12 : f32 to vector<1024x1024xf32>
    %select_n3A_14 = arith.select %eq3A_11, %get3A_4, %broadcast_in_dim3A_13 : vector<1024x1024xi1>, vector<1024x1024xf32>
    %reduce_sum3A = arith.constant dense<0.000000e+00> : vector<1024xf32>
    %reduce_sum3A_15 = vector.multi_reduction <add>, %select_n3A_14, %reduce_sum3A [1] : vector<1024x1024xf32> to vector<1024xf32>
    %broadcast_in_dim3A_16 = vector.shape_cast %reduce_sum3A_15 : vector<1024xf32> to vector<1024x1xf32>
    %get3A_17 = arith.constant 0 : index
    %get3A_18 = arith.constant 0 : index
    %get3A_19 = vector.load %arg4[%get3A_17, %get3A_18] : memref<1024x1xf32, #tpu.memory_space<vmem>>, vector<1024x1xf32>
    %get3A_20 = arith.constant 0 : index
    %get3A_21 = arith.constant 0 : index
    %get3A_22 = vector.load %arg3[%get3A_20, %get3A_21] : memref<1024x1xf32, #tpu.memory_space<vmem>>, vector<1024x1xf32>
    %ne3A = arith.constant 0.000000e+00 : f32
    %ne3A_23 = vector.broadcast %ne3A : f32 to vector<1024x1xf32>
    %ne3A_24 = arith.cmpf one, %get3A_19, %ne3A_23 : vector<1024x1xf32>
    %jit3A_25 = arith.constant 0.000000e+00 : f32
    %broadcast_in_dim3A_26 = vector.broadcast %jit3A_25 : f32 to vector<1024x1xf32>
    %select_n3A_27 = arith.select %ne3A_24, %broadcast_in_dim3A_26, %broadcast_in_dim3A_16 : vector<1024x1xi1>, vector<1024x1xf32>
    %mul3A = arith.constant 9.900000e-01 : f32
    %mul3A_28 = vector.broadcast %mul3A : f32 to vector<1024x1xf32>
    %mul3A_29 = arith.mulf %select_n3A_27, %mul3A_28 : vector<1024x1xf32>
    %add3A = arith.addf %mul3A_29, %get3A_22 : vector<1024x1xf32>
    %swap3A = arith.constant 0 : index
    %swap3A_30 = arith.constant 0 : index
    %swap3A_31 = vector.load %arg5[%swap3A, %swap3A_30] : memref<1024x1xf32, #tpu.memory_space<vmem>>, vector<1024x1xf32>
    tpu.vector_store %arg5[%swap3A, %swap3A_30], %add3A {strides = array<i32>} : memref<1024x1xf32, #tpu.memory_space<vmem>>, vector<1024x1xf32>,
    return
  }
  func.func @transform_0(%arg0: i32) -> (i32, i32) {
    %add3A = arith.constant 12 : i32
    %add3A_0 = arith.addi %add3A, %arg0 : i32
    %c0_i32 = arith.constant 0 : i32
    %c0_i32_1 = arith.constant 0 : i32
    return %add3A_0, %c0_i32 : i32, i32
  }
  func.func @transform_1(%arg0: i32) -> (i32, i32) {
    %add3A = arith.constant 12 : i32
    %add3A_0 = arith.addi %add3A, %arg0 : i32
    %c0_i32 = arith.constant 0 : i32
    %c0_i32_1 = arith.constant 0 : i32
    return %add3A_0, %c0_i32 : i32, i32
  }
  func.func @transform_2(%arg0: i32) -> (i32, i32) {
    %add3A = arith.constant 12 : i32
    %add3A_0 = arith.addi %add3A, %arg0 : i32
    %c0_i32 = arith.constant 0 : i32
    %c0_i32_1 = arith.constant 0 : i32
    return %add3A_0, %c0_i32 : i32, i32
  }
  func.func @transform_3(%arg0: i32) -> (i32, i32) {
    %add3A = arith.constant 12 : i32
    %add3A_0 = arith.addi %add3A, %arg0 : i32
    %c0_i32 = arith.constant 0 : i32
    %c0_i32_1 = arith.constant 0 : i32
    return %add3A_0, %c0_i32 : i32, i32
  }
  func.func @transform_4(%arg0: i32) -> (i32, i32) {
    %c0_i32 = arith.constant 0 : i32
    %c0_i32_0 = arith.constant 0 : i32
    return %arg0, %c0_i32 : i32, i32
  }
}

</mosaic_0001>

<sc_bundles>
// kernel: kernel.12.cloned.1.call-start
scs
__scs_entry_jumppad:
0x0: {  	(pc) =	sbr.rel $0x88, $3  }
0x1: {  	(tag) =	ssettag $0x0;
	lr =	simm.s32 $0x1  }
0x2: {  	[smem:$0x3F9D] =	sst lr;
	_ =	strace $0xD0000000  }
0x3: {  	_ = 	snop  }
0x4: {  	_ = 	snop  }
0x5: {  	_ = 	snop  }
0x6: {  	_ = 	snop  }
0x7: {  	_ = 	snop  }
__scs_overlays_trampoline_lowered:
0x8: {  	[smem:$0x3FAC] =	sst s0  }
0x9: {  	[smem:$0x3FAD] =	sst s1  }
0xa: {  	[smem:$0x3FAE] =	sst s2  }
0xb: {  	[smem:$0x3FAF] =	sst s3  }
0xc: {  	[smem:$0x3FB0] =	sst s4  }
0xd: {  	[smem:$0x3FB1] =	sst s5  }
0xe: {  	[smem:$0x3FB2] =	sst s6  }
0xf: {  	[smem:$0x3FB3] =	sst s7  }
0x10: {  	[smem:$0x3FB4] =	sst s8  }
0x11: {  	[smem:$0x3FB5] =	sst s9;
	s0 =	simm.s32 @!p0 $0x0  }
0x12: {  	s1 =	sld [smem:$0x3F9B];
	s0 =	simm.s32 @p0 $0x1  }
0x13: {  	[smem:$0x3FB6] =	sst s0;
	s0 =	simm.s32 @!p1 $0x0  }
0x14: {  	s2 =	sld [smem:$0x3F9A];
	s0 =	simm.s32 @p1 $0x1  }
0x15: {  	[smem:$0x3FB7] =	sst s0;
	s0 =	simm.s32 @!p2 $0x0  }
0x16: {  	s3 =	sld [smem:$0x3FDB];
	s0 =	simm.s32 @p2 $0x1  }
0x17: {  	s4 =	simm.s32 $0x1BF5;
	[smem:$0x3FB9] =	sst s0  }
0x18: {  	s0 =	sld [smem:$0x3F9C];
	_ =	swait.ge [sflag:s4], $0x0  }
0x19: {  	s7 =	sld [smem:$0x3F9D]  }
0x1a: {  	s8 =	sadd.s32 $0xFFFFE003, lr  }
0x1b: {  	s9 =	sadd.s32 $0xFFFFFEF7, lr;
	s5 =	simm.s32 $0xFFFFFFFF;
	p2 =	slt.u32 s8, $0xFFFFF086  }
0x1c: {  	p1 =	slt.u32 s9, $0xF7A;
	s5 =	simm.s32 @!p2 $0x0  }
0x1d: {  	s5 =	simm.s32 @p1 $0x1;
	p0 =	seq.s32 s7, s2  }
0x1e: {  	s7 =	smul.u32 @!p0 $0xF7A, s2;
	p2 =	seq.s32 @!p0 s5, $0x0  }
0x1f: {  	s9 =	smul.u32 $0xF7A, s1;
	s8 =	simm.s32 @!p0 $0x1BF5;
	p2 =	por !p2, p0  }
0x20: {  	[sflag:s8] =	ssyncset.s32 @!p0 $0xFFFFF086;
	s6 =	sadd.s32 @!p0 s3, s7;
	s7 =	simm.s32 @!p0 $0x108  }
0x21: {  	s3 =	sadd.s32 s3, s9;
	s6 =	sadd.s32 @!p0 $0x88, s6;
	s7 =	simm.s32 @p2 $0x1082  }
0x22: {  	[simem:s7], [sflag:s8] =	dma.local @!p0 [hbm:s6], $0xF7A  }
0x23: {  	s9 =	sor.u32 $0xD0000000, s2;
	s6 =	simm.s32 $0x108;
	_ =	swait.ge @!p0 [sflag:s8], $0x0  }
0x24: {  	s3 =	sadd.s32 $0x88, s3;
	s6 =	simm.s32 @!p1 $0x1082;
	[sflag:s4] =	ssyncset.s32 $0xFFFFF086  }
0x25: {  	[simem:s6], [sflag:s4] =	dma.local [hbm:s3], $0xF7A  }
0x26: {  	[smem:$0x3F9D] =	sst s1;
	(tag) =	ssettag s2;
	_ =	strace s9  }
0x27: {  	s1 =	sld [smem:$0x3FAD]  }
0x28: {  	s2 =	sld [smem:$0x3FAE]  }
0x29: {  	s4 =	sld [smem:$0x3FB0]  }
0x2a: {  	p0 =	seq.s32 s5, $0x0;
	s5 =	sld [smem:$0x3FB1]  }
0x2b: {  	s6 =	sld [smem:$0x3FB2]  }
0x2c: {  	s7 =	sld [smem:$0x3FB3]  }
0x2d: {  	s3 =	simm.s32 $0x108;
	s8 =	sld [smem:$0x3FB4]  }
0x2e: {  	s3 =	simm.s32 @!p0 $0x1082;
	s9 =	sld [smem:$0x3FB5]  }
0x2f: {  	lr =	sadd.s32 s0, s3;
	s0 =	sld [smem:$0x3FAC]  }
0x30: {  	s3 =	sld [smem:$0x3FAF]  }
0x31: {  	[smem:$0x3FB8] =	sst s10  }
0x32: {  	s10 =	sld [smem:$0x3FB6];
	_ =	sdelay $0x3  }
0x33: {  	p0 =	seq.s32 s10, $0x1;
	s10 =	sld [smem:$0x3FB8];
	_ =	sdelay $0x3  }
0x34: {  	[smem:$0x3FB8] =	sst s10  }
0x35: {  	s10 =	sld [smem:$0x3FB7];
	_ =	sdelay $0x3  }
0x36: {  	p1 =	seq.s32 s10, $0x1;
	s10 =	sld [smem:$0x3FB8];
	_ =	sdelay $0x3  }
0x37: {  	[smem:$0x3FB8] =	sst s10  }
0x38: {  	s10 =	sld [smem:$0x3FB9]  }
0x39: {  	_ = 	snop;
	(pc) =	sbr.ind lr, $3  }
0x3a: {  	_ = 	snop  }
0x3b: {  	_ = 	snop  }
0x3c: {  	p2 =	seq.s32 s10, $0x1;
	s10 =	sld [smem:$0x3FB8]  }
0x3d: {  	_ =	shalt  }
0x3e: {  	_ =	shalt  }
0x3f: {  	_ =	shalt  }
0x40: {  	_ =	shalt  }
0x41: {  	_ =	shalt  }
0x42: {  	_ =	shalt  }
0x43: {  	_ =	shalt  }
0x44: {  	_ =	shalt  }
0x45: {  	_ =	shalt  }
0x46: {  	_ =	shalt  }
0x47: {  	_ =	shalt  }
0x48: {  	_ =	shalt  }
0x49: {  	_ =	shalt  }
0x4a: {  	_ =	shalt  }
0x4b: {  	_ =	shalt  }
0x4c: {  	_ =	shalt  }
0x4d: {  	_ =	shalt  }
0x4e: {  	_ =	shalt  }
0x4f: {  	_ =	shalt  }
0x50: {  	_ =	shalt  }
0x51: {  	_ =	shalt  }
0x52: {  	_ =	shalt  }
0x53: {  	_ =	shalt  }
0x54: {  	_ =	shalt  }
0x55: {  	_ =	shalt  }
0x56: {  	_ =	shalt  }
0x57: {  	_ =	shalt  }
0x58: {  	_ =	shalt  }
0x59: {  	_ =	shalt  }
0x5a: {  	_ =	shalt  }
0x5b: {  	_ =	shalt  }
0x5c: {  	_ =	shalt  }
0x5d: {  	_ =	shalt  }
0x5e: {  	_ =	shalt  }
0x5f: {  	_ =	shalt  }
0x60: {  	_ =	shalt  }
0x61: {  	_ =	shalt  }
0x62: {  	_ =	shalt  }
0x63: {  	_ =	shalt  }
0x64: {  	_ =	shalt  }
0x65: {  	_ =	shalt  }
0x66: {  	_ =	shalt  }
0x67: {  	_ =	shalt  }
0x68: {  	_ =	shalt  }
0x69: {  	_ =	shalt  }
0x6a: {  	_ =	shalt  }
0x6b: {  	_ =	shalt  }
0x6c: {  	_ =	shalt  }
0x6d: {  	_ =	shalt  }
0x6e: {  	_ =	shalt  }
0x6f: {  	_ =	shalt  }
0x70: {  	_ =	shalt  }
0x71: {  	_ =	shalt  }
0x72: {  	_ =	shalt  }
0x73: {  	_ =	shalt  }
0x74: {  	_ =	shalt  }
0x75: {  	_ =	shalt  }
0x76: {  	_ =	shalt  }
0x77: {  	_ =	shalt  }
0x78: {  	_ =	shalt  }
0x79: {  	_ =	shalt  }
0x7a: {  	_ =	shalt  }
0x7b: {  	_ =	shalt  }
0x7c: {  	_ =	shalt  }
0x7d: {  	_ =	shalt  }
0x7e: {  	_ =	shalt  }
0x7f: {  	_ =	shalt  }
0x80: {  	_ =	shalt  }
0x81: {  	_ =	shalt  }
0x82: {  	_ =	shalt  }
0x83: {  	_ =	shalt  }
0x84: {  	_ =	shalt  }
0x85: {  	_ =	shalt  }
0x86: {  	_ =	shalt  }
0x87: {  	_ =	shalt  }
.Lfunc_end0:
.L_simem_size_0:
called_computation.1_lowered:
.L_overlay_start_0:
0x88: {  	s2 =	sld [smem:$0x3FD9]  }
0x89: {  	s3 =	sld [smem:$0x3FFE];
	_ =	sdelay $0x1  }
0x8a: {  	s1 =	srdreg.scid  }
0x8b: {  	s0 =	sand.u32 $0x1, s1  }
0x8c: {  	s17 =	sshll.u32 s0, $0xA;
	s2 =	sadd.s32 s3, s2  }
0x8d: {  	s2 =	sadd.s32 s2, s17  }
0x8e: {  	[smem:$0x3FC4] =	sst s2  }
0x8f: {  	_ = 	snop  }
0x90: {  	s18 =	sld [smem:$0x3FC9];
	(tm) =	ssettm $0x1  }
0x91: {  	s19 =	sld [smem:$0x3FFB];
	_ =	sdelay $0x3  }
0x92: {  	_ =	strace s19  }
0x93: {  	s2 =	sld [smem:$0x3FFC];
	_ =	sdelay $0x3  }
0x94: {  	_ =	strace s2  }
0x95: {  	s2 =	sld [smem:$0x3FFD];
	_ =	sdelay $0x3  }
0x96: {  	_ =	strace s2  }
0x97: {  	_ =	strace $0x8FFFFFFF  }
0x98: {  	s20 =	sld [smem:$0x3FDB];
	_ =	sdelay $0x1  }
0x99: {  	s4 =	simm.s32 $_scs_section_size  }
0x9a: {  	s5 =	simm.s32 $_size__tile_overlayer_lowered;
	s6 =	simm.s32 $_tile_overlayer_lowered  }
0x9b: {  	s7 =	simm.s32 $0x1BFF;
	s21 =	sshll.u32 s6, $0x1;
	s4 =	sadd.s32 s4, s20  }
0x9c: {  	s22 =	simm.s32 $0x0;
	s5 =	sshll.u32 s5, $0x1;
	s6 =	sadd.s32 s21, s4  }
0x9d: {  	[timem:s22], [sflag:s7] =	dma.local [hbm:s6], s5  }
0x9e: {  	_ =	swait.ge [sflag:s7], s5  }
0x9f: {  	s5 =	ssub.s32 $0x0, s5;
	[sflag:s7] =	ssyncset.done $0x0  }
0xa0: {  	[sflag:s7] =	ssyncadd.s32 s5;
	_ =	sdelay $0x1  }
0xa1: {  	s23 =	simm.s32 $0x1B8B  }
0xa2: {  	_ =	swait.ge [sflag:s23], $0x1  }
0xa3: {  	[sflag:s23] =	ssyncset.done $0x0  }
0xa4: {  	[sflag:s23] =	ssyncadd.s32 $0xFFFFFFFF  }
0xa5: {  	s5 =	sld [smem:$0x0]  }
0xa6: {  	s6 =	sand.u32 $0xFFFFFFFE, s1  }
0xa7: {  	p0 =	sne.s32 s1, s6  }
0xa8: {  	s6 =	sshll.u32 @p0 s6, $0xE  }
0xa9: {  	s6 =	sadd.s32 @p0 $0x11B8D, s6;
	s7 =	sshll.u32 @p0 s5, $0x11  }
0xaa: {  	s6 =	sor.u32 @p0 s7, s6  }
0xab: {  	[sflag:s6] =	ssyncadd.remote.s32 @p0 $0x1;
	_ =	sdelay $0x1  }
0xac: {  	s6 =	simm.s32 @p0 $0x1B8D  }
0xad: {  	_ =	swait.eq @p0 [sflag:s6], $0x1  }
0xae: {  	[sflag:s6] =	ssyncadd.s32 @p0 $0xFFFFFFFF  }
0xaf: {  	s7 =	sshll.u32 @!p0 s1, $0xE  }
0xb0: {  	s7 =	sor.u32 @!p0 $0x4000, s7;
	s6 =	simm.s32 @!p0 $0x1B8D  }
0xb1: {  	s5 =	sshll.u32 @!p0 s5, $0x11;
	s7 =	sadd.s32 @!p0 $0x11B8D, s7;
	_ =	swait.eq @!p0 [sflag:s6], $0x1  }
0xb2: {  	s5 =	sor.u32 @!p0 s5, s7;
	[sflag:s6] =	ssyncadd.s32 @!p0 $0xFFFFFFFF  }
0xb3: {  	s25 =	simm.s32 $0x1B8E;
	s24 =	sld [smem:$0x3FFE];
	[sflag:s5] =	ssyncadd.remote.s32 @!p0 $0x1  }
0xb4: {  	s26 =	simm.s32 $execute0_lowered;
	[smem:$0x3FD2] =	sst s25  }
0xb5: {  	s6 =	sshll.u32 s26, $0x1;
	_ =	strace $0x80000049;
	[dreg:$0x1] =	wrdreg $0xFFFFFFFF  }
0xb6: {  	s28 =	simm.s32 $_size_execute0_lowered;
	s4 =	sadd.s32 s4, s6;
	[dreg:$0x0] =	wrdreg $0x0  }
0xb7: {  	s6 =	sshll.u32 s28, $0x1;
	[dreg:$0x2] =	wrdreg s4  }
0xb8: {  	[dreg:$0x3] =	wrdreg s6  }
0xb9: {  	[dreg:$0x4] =	wrdreg $0xC0  }
0xba: {  	_ =	task [dreg:s22], $0x5FFFF  }
0xbb: {  	[dreg:$0x1] =	wrdreg $0xFFFFFFFF  }
0xbc: {  	[dreg:$0x0] =	wrdreg $0x60  }
0xbd: {  	[dreg:$0x2] =	wrdreg s18  }
0xbe: {  	[dreg:$0x3] =	wrdreg s24  }
0xbf: {  	[dreg:$0x4] =	wrdreg $0xA  }
0xc0: {  	_ =	task.clear_ibuf [dreg:s22], $0x5FFFF;
	_ =	strace $0x90000049  }
0xc1: {  	s29 =	simm.s32 $0xA;
	_ =	strace $0x8000004B  }
0xc2: {  	_ =	swait.ge [sflag:s29], $0x1  }
0xc3: {  	[sflag:s29] =	ssyncadd.s32 $0xFFFFFFFF  }
0xc4: {  	_ =	strace $0x9000004B  }
0xc5: {  	_ =	sfence  }
0xc6: {  	s30 =	sld [smem:$0x0];
	_ =	sdelay $0x2  }
0xc7: {  	s31 =	sshll.u32 s1, $0xD;
	s1 =	sshrl.u32 s1, $0x2  }
0xc8: {  	s4 =	sand.u32 $0x4000, s31;
	s1 =	sadd.s32 s1, s30  }
0xc9: {  	s0 =	sor.u32 s4, s0;
	s1 =	sshll.u32 s1, $0x11  }
0xca: {  	s0 =	sor.u32 s1, s0  }
0xcb: {  	s0 =	sadd.s32 $0x8F2B, s0  }
0xcc: {  	[sflag:s0] =	ssyncadd.remote.s32 $0x1  }
0xcd: {  	_ =	sfence.sel $0xFFFF  }
0xce: {  	[dreg:$0x0] =	wrdreg $0xFFFFFFFF;
	(pc) =	sbr.abs _section_cstart, $3  }
0xcf: {  	[dreg:$0x1] =	wrdreg $0xFFFFFFFF  }
0xd0: {  	_ =	task.clear_ibuf [dreg:s22], $0x2FFFF;
	_ =	strace $0x9FFFFFFF  }
0xd1: {  	(tm) =	ssettm $0x7FFFFFFF  }
tec
execute0_lowered:
.L_overlay_start_1:
0x0: {  	(tag) =	ssettag $0x1  }
0x1: {  	s1 =	srdreg.scid  }
0x2: {  	s0 =	stileid.u32;
	s4 =	rddreg [dreg:$0x0];
	v0 =	vimm.s32 $0x2380;
	vm0 =	vcmask $0x300  }
0x3: {  	s5 =	rddreg [dreg:$0x1];
	vm14 =	vcmask $0x704;
	s2 =	simm.s32 $0x0;
	s16 =	simm.s32 $0x5;
	v0 =	vsel vm0, $0x0, v0  }
0x4: {  	vm15 =	vcmask $0xB08;
	s17 =	simm.s32 $0x10080;
	s18 =	simm.s32 $0x10100;
	s19 =	simm.s32 $0x80;
	v0 =	vsel vm14, $0x80, v0  }
0x5: {  	vm4 =	vcmask $0xF0C;
	s20 =	simm.s32 $0x4080;
	s21 =	simm.s32 $0x8080;
	s22 =	simm.s32 $0xC080;
	v0 =	vsel vm15, $0x100, v0  }
0x6: {  	vm5 =	vcmask $0x1310;
	s23 =	simm.s32 $0x1;
	s24 =	simm.s32 $0x2;
	s25 =	simm.s32 $0x3;
	v0 =	vsel vm4, $0x180, v0  }
0x7: {  	vm6 =	vcmask $0x1714;
	s26 =	simm.s32 $0x4;
	s28 =	simm.s32 $0x10180;
	s3 =	sand.u32 $0x1, s1;
	v0 =	vsel vm5, $0x200, v0  }
0x8: {  	vm7 =	vcmask $0x1B18;
	s30 =	sshll.u32 s0, $0x1;
	s1 =	rddreg [dreg:$0x2];
	s7 =	sshll.u32 s0, $0x5;
	v0 =	vsel vm6, $0x280, v0  }
0x9: {  	vm8 =	vcmask $0x1F1C;
	[smem:$0x7FF] =	sst s2;
	s6 =	sor.u32 s3, s30;
	s7 =	sand.u32 $0x180, s7;
	v0 =	vsel vm7, $0x300, v0  }
0xa: {  	vm9 =	vcmask $0x2320;
	_ =	strace $0x8000004A;
	s3 =	ssub.s32 $0x2, s3;
	s8 =	sshll.u32 s6, $0x4;
	v0 =	vsel vm8, $0x380, v0  }
0xb: {  	vm10 =	vcmask $0x2724;
	s31 =	sshrl.u32 s3, $0x1;
	s6 =	sshll.u32 s6, $0xE;
	s9 =	sand.u32 $0x70, s8;
	v0 =	vsel vm9, $0x2000, v0  }
0xc: {  	vm11 =	vcmask $0x2B28;
	s14 =	sadd.s32 s8, s5;
	s15 =	ssub.s32 s3, s31;
	s13 =	sadd.s32 s6, s4;
	v0 =	vsel vm10, $0x2080, v0  }
0xd: {  	vm12 =	vcmask $0x2F2C;
	s7 =	sor.u32 s7, s9;
	s6 =	sadd.s32 $0x80000, s13;
	s8 =	sadd.s32 $0x81000, s13;
	v0 =	vsel vm11, $0x2100, v0  }
0xe: {  	vm13 =	vcmask $0x3330;
	s9 =	sadd.s32 $0x81800, s13;
	s10 =	sadd.s32 $0x82000, s13;
	s11 =	sadd.s32 $0x82800, s13;
	v0 =	vsel vm12, $0x2180, v0  }
0xf: {  	vm14 =	vcmask $0x3734;
	s12 =	sadd.s32 $0x83000, s13;
	s14 =	sadd.s32 $0x2E00, s14;
	s7 =	sadd.s32 s7, s5;
	v0 =	vsel vm13, $0x2200, v0  }
0x10: {  	vm15 =	vcmask $0x3B38;
	s15 =	smax.u32 s15, $0x1;
	s3 =	sadd.s32 $0x2800, s7;
	s4 =	sadd.s32 $0x2A00, s7;
	v0 =	vsel vm14, $0x2280, v0  }
0x11: {  	s5 =	sadd.s32 $0x2C00, s7;
	s7 =	sadd.s32 $0x80800, s13;
	s13 =	sadd.s32 $0x83800, s13;
	v0 =	vsel vm15, $0x2300, v0  }
.LBB2_1:
0x12: {  	[tilespmem:s2], [sflag:$0x5] =	stream.linear.gather [hbm4b:s3+s2], $0x80, $0x38;
	[tilespmem:$0x10200] =	vst v63  }
0x13: {  	_ =	swait.ge [sflag:s16], $0x80  }
0x14: {  	[sflag:s16] =	ssyncset.done $0x0  }
0x15: {  	[sflag:s16] =	ssyncadd.s32 $0xFFFFFF80  }
0x16: {  	[tilespmem:s17], [sflag:$0x5] =	stream.linear.gather [hbm4b:s4+s2], $0x80, $0x38;
	[tilespmem:$0x10200] =	vst v63  }
0x17: {  	_ =	swait.ge [sflag:s16], $0x80  }
0x18: {  	[sflag:s16] =	ssyncset.done $0x0  }
0x19: {  	[sflag:s16] =	ssyncadd.s32 $0xFFFFFF80  }
0x1a: {  	[tilespmem:s18], [sflag:$0x5] =	stream.linear.gather [hbm4b:s5+s2], $0x80, $0x38;
	[tilespmem:$0x10200] =	vst v63  }
0x1b: {  	_ =	swait.ge [sflag:s16], $0x80  }
0x1c: {  	[sflag:s16] =	ssyncset.done $0x0  }
0x1d: {  	[sflag:s16] =	ssyncadd.s32 $0xFFFFFF80  }
0x1e: {  	[tilespmem:s19], [sflag:$0x1] =	stream.linear.gather [hbm4b:s6+s2], $0x4000, $0x38;
	[tilespmem:$0x10200] =	vst v63  }
0x1f: {  	_ = 	snop  }
0x20: {  	[tilespmem:s20], [sflag:$0x2] =	stream.linear.gather [hbm4b:s7+s2], $0x4000, $0x38;
	[tilespmem:$0x10200] =	vst v63  }
0x21: {  	_ = 	snop  }
0x22: {  	[tilespmem:s21], [sflag:$0x3] =	stream.linear.gather [hbm4b:s8+s2], $0x4000, $0x38;
	[tilespmem:$0x10200] =	vst v63  }
0x23: {  	_ = 	snop  }
0x24: {  	[tilespmem:s22], [sflag:$0x4] =	stream.linear.gather [hbm4b:s9+s2], $0x4000, $0x38;
	[tilespmem:$0x10200] =	vst v63  }
0x25: {  	_ =	swait.ge [sflag:s23], $0x4000  }
0x26: {  	[sflag:s23] =	ssyncset.done $0x0  }
0x27: {  	[sflag:s23] =	ssyncadd.s32 $0xFFFFC000  }
0x28: {  	v1 =	vld [tilespmem:$0x0];
	_ =	sdelay $0x4  }
0x29: {  	v2 =	vshll.u32 v1, $0x3  }
0x2a: {  	v1 =	vand.u32 $0x7F, v1;
	v2 =	vand.u32 $0xFFFFFC00, v2  }
0x2b: {  	v1 =	vor.u32 v1, v2  }
0x2c: {  	v1 =	vadd.s32 v0, v1;
	_ =	sdelay $0x3  }
0x2d: {  	v2 =	vld [tilespmem:$0x10080]  }
0x2e: {  	v1 =	vld.idx.msk [tilespmem:v1+s19+$0x0], $0xffff;
	_ =	sdelay $0x1  }
0x2f: {  	v3 =	vld [tilespmem:$0x10100];
	_ =	sdelay $0x2  }
0x30: {  	v1 =	vmul.f32 v2, v1;
	_ =	sdelay $0x1  }
0x31: {  	v1 =	vadd.f32 v3, v1;
	_ =	sdelay $0x1  }
0x32: {  	[tilespmem:$0x10180] =	vst v1  }
0x33: {  	[tilespmem:s19], [sflag:$0x1] =	stream.linear.gather [hbm4b:s10+s2], $0x4000, $0x38;
	[tilespmem:$0x10200] =	vst v63  }
0x34: {  	_ =	swait.ge [sflag:s24], $0x4000  }
0x35: {  	[sflag:s24] =	ssyncset.done $0x0  }
0x36: {  	[sflag:s24] =	ssyncadd.s32 $0xFFFFC000  }
0x37: {  	v1 =	vld [tilespmem:$0x10];
	_ =	sdelay $0x4  }
0x38: {  	v2 =	vshll.u32 v1, $0x3  }
0x39: {  	v1 =	vand.u32 $0x7F, v1;
	v2 =	vand.u32 $0xFFFFFC00, v2  }
0x3a: {  	v1 =	vor.u32 v1, v2  }
0x3b: {  	v1 =	vadd.s32 v0, v1;
	_ =	sdelay $0x3  }
0x3c: {  	v2 =	vld [tilespmem:$0x10090]  }
0x3d: {  	v1 =	vld.idx.msk [tilespmem:v1+s20+$0x0], $0xffff;
	_ =	sdelay $0x1  }
0x3e: {  	v3 =	vld [tilespmem:$0x10110];
	_ =	sdelay $0x2  }
0x3f: {  	v1 =	vmul.f32 v2, v1;
	_ =	sdelay $0x1  }
0x40: {  	v1 =	vadd.f32 v3, v1;
	_ =	sdelay $0x1  }
0x41: {  	[tilespmem:$0x10190] =	vst v1  }
0x42: {  	[tilespmem:s20], [sflag:$0x2] =	stream.linear.gather [hbm4b:s11+s2], $0x4000, $0x38;
	[tilespmem:$0x10200] =	vst v63  }
0x43: {  	_ =	swait.ge [sflag:s25], $0x4000  }
0x44: {  	[sflag:s25] =	ssyncset.done $0x0  }
0x45: {  	[sflag:s25] =	ssyncadd.s32 $0xFFFFC000  }
0x46: {  	v1 =	vld [tilespmem:$0x20];
	_ =	sdelay $0x4  }
0x47: {  	v2 =	vshll.u32 v1, $0x3  }
0x48: {  	v1 =	vand.u32 $0x7F, v1;
	v2 =	vand.u32 $0xFFFFFC00, v2  }
0x49: {  	v1 =	vor.u32 v1, v2  }
0x4a: {  	v1 =	vadd.s32 v0, v1;
	_ =	sdelay $0x3  }
0x4b: {  	v2 =	vld [tilespmem:$0x100A0]  }
0x4c: {  	v1 =	vld.idx.msk [tilespmem:v1+s21+$0x0], $0xffff;
	_ =	sdelay $0x1  }
0x4d: {  	v3 =	vld [tilespmem:$0x10120];
	_ =	sdelay $0x2  }
0x4e: {  	v1 =	vmul.f32 v2, v1;
	_ =	sdelay $0x1  }
0x4f: {  	v1 =	vadd.f32 v3, v1;
	_ =	sdelay $0x1  }
0x50: {  	[tilespmem:$0x101A0] =	vst v1  }
0x51: {  	[tilespmem:s21], [sflag:$0x3] =	stream.linear.gather [hbm4b:s12+s2], $0x4000, $0x38;
	[tilespmem:$0x10200] =	vst v63  }
0x52: {  	_ =	swait.ge [sflag:s26], $0x4000  }
0x53: {  	[sflag:s26] =	ssyncset.done $0x0  }
0x54: {  	[sflag:s26] =	ssyncadd.s32 $0xFFFFC000  }
0x55: {  	v1 =	vld [tilespmem:$0x30];
	_ =	sdelay $0x4  }
0x56: {  	v2 =	vshll.u32 v1, $0x3  }
0x57: {  	v1 =	vand.u32 $0x7F, v1;
	v2 =	vand.u32 $0xFFFFFC00, v2  }
0x58: {  	v1 =	vor.u32 v1, v2  }
0x59: {  	v1 =	vadd.s32 v0, v1;
	_ =	sdelay $0x3  }
0x5a: {  	v2 =	vld [tilespmem:$0x100B0]  }
0x5b: {  	v1 =	vld.idx.msk [tilespmem:v1+s22+$0x0], $0xffff;
	_ =	sdelay $0x1  }
0x5c: {  	v3 =	vld [tilespmem:$0x10130];
	_ =	sdelay $0x2  }
0x5d: {  	v1 =	vmul.f32 v2, v1;
	_ =	sdelay $0x1  }
0x5e: {  	v1 =	vadd.f32 v3, v1;
	_ =	sdelay $0x1  }
0x5f: {  	[tilespmem:$0x101B0] =	vst v1  }
0x60: {  	[tilespmem:s22], [sflag:$0x4] =	stream.linear.gather [hbm4b:s13+s2], $0x4000, $0x38;
	[tilespmem:$0x10200] =	vst v63  }
0x61: {  	_ =	swait.ge [sflag:s23], $0x4000  }
0x62: {  	[sflag:s23] =	ssyncset.done $0x0  }
0x63: {  	[sflag:s23] =	ssyncadd.s32 $0xFFFFC000  }
0x64: {  	v1 =	vld [tilespmem:$0x40];
	_ =	sdelay $0x4  }
0x65: {  	v2 =	vshll.u32 v1, $0x3  }
0x66: {  	v1 =	vand.u32 $0x7F, v1;
	v2 =	vand.u32 $0xFFFFFC00, v2  }
0x67: {  	v1 =	vor.u32 v1, v2  }
0x68: {  	v1 =	vadd.s32 v0, v1;
	_ =	sdelay $0x3  }
0x69: {  	v2 =	vld [tilespmem:$0x100C0]  }
0x6a: {  	v1 =	vld.idx.msk [tilespmem:v1+s19+$0x0], $0xffff;
	_ =	sdelay $0x1  }
0x6b: {  	v3 =	vld [tilespmem:$0x10140];
	_ =	sdelay $0x2  }
0x6c: {  	v1 =	vmul.f32 v2, v1;
	_ =	sdelay $0x1  }
0x6d: {  	v1 =	vadd.f32 v3, v1;
	_ =	sdelay $0x1  }
0x6e: {  	[tilespmem:$0x101C0] =	vst v1  }
0x6f: {  	_ =	swait.ge [sflag:s24], $0x4000  }
0x70: {  	[sflag:s24] =	ssyncset.done $0x0  }
0x71: {  	[sflag:s24] =	ssyncadd.s32 $0xFFFFC000  }
0x72: {  	v1 =	vld [tilespmem:$0x50];
	_ =	sdelay $0x4  }
0x73: {  	v2 =	vshll.u32 v1, $0x3  }
0x74: {  	v1 =	vand.u32 $0x7F, v1;
	v2 =	vand.u32 $0xFFFFFC00, v2  }
0x75: {  	v1 =	vor.u32 v1, v2  }
0x76: {  	v1 =	vadd.s32 v0, v1;
	_ =	sdelay $0x3  }
0x77: {  	v2 =	vld [tilespmem:$0x100D0]  }
0x78: {  	v1 =	vld.idx.msk [tilespmem:v1+s20+$0x0], $0xffff;
	_ =	sdelay $0x1  }
0x79: {  	v3 =	vld [tilespmem:$0x10150];
	_ =	sdelay $0x2  }
0x7a: {  	v1 =	vmul.f32 v2, v1;
	_ =	sdelay $0x1  }
0x7b: {  	v1 =	vadd.f32 v3, v1;
	_ =	sdelay $0x1  }
0x7c: {  	[tilespmem:$0x101D0] =	vst v1  }
0x7d: {  	_ =	swait.ge [sflag:s25], $0x4000  }
0x7e: {  	[sflag:s25] =	ssyncset.done $0x0  }
0x7f: {  	[sflag:s25] =	ssyncadd.s32 $0xFFFFC000  }
0x80: {  	v1 =	vld [tilespmem:$0x60];
	_ =	sdelay $0x4  }
0x81: {  	v2 =	vshll.u32 v1, $0x3  }
0x82: {  	v1 =	vand.u32 $0x7F, v1;
	v2 =	vand.u32 $0xFFFFFC00, v2  }
0x83: {  	v1 =	vor.u32 v1, v2  }
0x84: {  	v1 =	vadd.s32 v0, v1;
	_ =	sdelay $0x3  }
0x85: {  	v2 =	vld [tilespmem:$0x100E0]  }
0x86: {  	v1 =	vld.idx.msk [tilespmem:v1+s21+$0x0], $0xffff;
	_ =	sdelay $0x1  }
0x87: {  	v3 =	vld [tilespmem:$0x10160];
	_ =	sdelay $0x2  }
0x88: {  	v1 =	vmul.f32 v2, v1;
	_ =	sdelay $0x1  }
0x89: {  	v1 =	vadd.f32 v3, v1;
	_ =	sdelay $0x1  }
0x8a: {  	[tilespmem:$0x101E0] =	vst v1  }
0x8b: {  	_ =	swait.ge [sflag:s26], $0x4000  }
0x8c: {  	[sflag:s26] =	ssyncset.done $0x0  }
0x8d: {  	[sflag:s26] =	ssyncadd.s32 $0xFFFFC000  }
0x8e: {  	v1 =	vld [tilespmem:$0x70];
	_ =	sdelay $0x4  }
0x8f: {  	v2 =	vshll.u32 v1, $0x3  }
0x90: {  	v1 =	vand.u32 $0x7F, v1;
	v2 =	vand.u32 $0xFFFFFC00, v2  }
0x91: {  	v1 =	vor.u32 v1, v2  }
0x92: {  	v1 =	vadd.s32 v0, v1;
	_ =	sdelay $0x3  }
0x93: {  	v2 =	vld [tilespmem:$0x100F0]  }
0x94: {  	v1 =	vld.idx.msk [tilespmem:v1+s22+$0x0], $0xffff;
	_ =	sdelay $0x1  }
0x95: {  	v3 =	vld [tilespmem:$0x10170];
	_ =	sdelay $0x2  }
0x96: {  	v1 =	vmul.f32 v2, v1;
	_ =	sdelay $0x1  }
0x97: {  	v1 =	vadd.f32 v3, v1  }
0x98: {  	p0 =	sne.s32 s15, $0x1  }
.Ltmp0:
0x99: {  	[tilespmem:$0x101F0] =	vst v1;
	(pc) =	sbr.rel @p0 .LBB2_1-.Ltmp0, $4  }
0x9a: {  	[hbm4b:s14+s2] =	stream.linear.scatter [tilespmem:s28], [sflag:$0x5], $0x80, $0x38;
	[tilespmem:$0x10200] =	vst v63  }
0x9b: {  	_ =	swait.ge [sflag:s16], $0x80  }
0x9c: {  	[sflag:s16] =	ssyncset.done $0x0  }
0x9d: {  	s15 =	sadd.s32 $0xFFFFFFFF, s15;
	[sflag:s16] =	ssyncadd.s32 $0xFFFFFF80  }
0x9e: {  	_ =	sfence.sel $0x180000  }
0x9f: {  	[bflag:$0x0] =	sbarrier.arrive $0xFFFF  }
0xa0: {  	p0 =	sne.s32 s0, $0x0;
	_ =	strace $0x9000004A  }
0xa1: {  	s0 =	sadd.s32 @!p0 $0x100000, s1;
	[bflag:$0x2] =	sbarrier.arrive $0xFFFF  }
0xa2: {  	[sflag:s0] =	ssyncadd.tile.s32 @!p0 $0x1;
	_ =	shalt  }
.Lfunc_end2:
_tile_overlayer_lowered:
.L_overlay_start_2:
0xa3: {  	(tag) =	ssettag $0x2  }
0xa4: {  	s0 =	rddreg [dreg:$0x0];
	s2 =	stileid.u32  }
0xa5: {  	s1 =	rddreg [dreg:$0x1];
	p0 =	sne.s32 s2, $0x0  }
0xa6: {  	s3 =	rddreg [dreg:$0x2];
	[bflag:$0x3] =	sbarrier.arrive $0xFFFF;
	s2 =	simm.s32 @!p0 $0x1C05  }
0xa7: {  	[timem:s3], [sflag:s2] =	dma.local @!p0 [hbm:s0], s1  }
0xa8: {  	s0 =	simm.s32 @!p0 $0x5  }
0xa9: {  	_ =	swait.ge @!p0 [sflag:s0], s1  }
0xaa: {  	s1 =	ssub.s32 @!p0 $0x0, s1;
	[sflag:s0] =	ssyncset.done @!p0 $0x0  }
0xab: {  	[sflag:s0] =	ssyncadd.s32 @!p0 s1  }
0xac: {  	[bflag:$0x3] =	sbarrier.arrive $0xFFFF  }
0xad: {  	_ =	shalt  }

// kernel: kernel.15.cloned.1.call-start
scs
__scs_entry_jumppad:
0x0: {  	(pc) =	sbr.rel $0x88, $3  }
0x1: {  	(tag) =	ssettag $0x0;
	lr =	simm.s32 $0x1  }
0x2: {  	[smem:$0x3F9D] =	sst lr;
	_ =	strace $0xD0000000  }
0x3: {  	_ = 	snop  }
0x4: {  	_ = 	snop  }
0x5: {  	_ = 	snop  }
0x6: {  	_ = 	snop  }
0x7: {  	_ = 	snop  }
__scs_overlays_trampoline_lowered:
0x8: {  	[smem:$0x3FAC] =	sst s0  }
0x9: {  	[smem:$0x3FAD] =	sst s1  }
0xa: {  	[smem:$0x3FAE] =	sst s2  }
0xb: {  	[smem:$0x3FAF] =	sst s3  }
0xc: {  	[smem:$0x3FB0] =	sst s4  }
0xd: {  	[smem:$0x3FB1] =	sst s5  }
0xe: {  	[smem:$0x3FB2] =	sst s6  }
0xf: {  	[smem:$0x3FB3] =	sst s7  }
0x10: {  	[smem:$0x3FB4] =	sst s8  }
0x11: {  	[smem:$0x3FB5] =	sst s9;
	s0 =	simm.s32 @!p0 $0x0  }
0x12: {  	s1 =	sld [smem:$0x3F9B];
	s0 =	simm.s32 @p0 $0x1  }
0x13: {  	[smem:$0x3FB6] =	sst s0;
	s0 =	simm.s32 @!p1 $0x0  }
0x14: {  	s2 =	sld [smem:$0x3F9A];
	s0 =	simm.s32 @p1 $0x1  }
0x15: {  	[smem:$0x3FB7] =	sst s0;
	s0 =	simm.s32 @!p2 $0x0  }
0x16: {  	s3 =	sld [smem:$0x3FDB];
	s0 =	simm.s32 @p2 $0x1  }
0x17: {  	s4 =	simm.s32 $0x1BF5;
	[smem:$0x3FB9] =	sst s0  }
0x18: {  	s0 =	sld [smem:$0x3F9C];
	_ =	swait.ge [sflag:s4], $0x0  }
0x19: {  	s7 =	sld [smem:$0x3F9D]  }
0x1a: {  	s8 =	sadd.s32 $0xFFFFE003, lr  }
0x1b: {  	s9 =	sadd.s32 $0xFFFFFEF7, lr;
	s5 =	simm.s32 $0xFFFFFFFF;
	p2 =	slt.u32 s8, $0xFFFFF086  }
0x1c: {  	p1 =	slt.u32 s9, $0xF7A;
	s5 =	simm.s32 @!p2 $0x0  }
0x1d: {  	s5 =	simm.s32 @p1 $0x1;
	p0 =	seq.s32 s7, s2  }
0x1e: {  	s7 =	smul.u32 @!p0 $0xF7A, s2;
	p2 =	seq.s32 @!p0 s5, $0x0  }
0x1f: {  	s9 =	smul.u32 $0xF7A, s1;
	s8 =	simm.s32 @!p0 $0x1BF5;
	p2 =	por !p2, p0  }
0x20: {  	[sflag:s8] =	ssyncset.s32 @!p0 $0xFFFFF086;
	s6 =	sadd.s32 @!p0 s3, s7;
	s7 =	simm.s32 @!p0 $0x108  }
0x21: {  	s3 =	sadd.s32 s3, s9;
	s6 =	sadd.s32 @!p0 $0x88, s6;
	s7 =	simm.s32 @p2 $0x1082  }
0x22: {  	[simem:s7], [sflag:s8] =	dma.local @!p0 [hbm:s6], $0xF7A  }
0x23: {  	s9 =	sor.u32 $0xD0000000, s2;
	s6 =	simm.s32 $0x108;
	_ =	swait.ge @!p0 [sflag:s8], $0x0  }
0x24: {  	s3 =	sadd.s32 $0x88, s3;
	s6 =	simm.s32 @!p1 $0x1082;
	[sflag:s4] =	ssyncset.s32 $0xFFFFF086  }
0x25: {  	[simem:s6], [sflag:s4] =	dma.local [hbm:s3], $0xF7A  }
0x26: {  	[smem:$0x3F9D] =	sst s1;
	(tag) =	ssettag s2;
	_ =	strace s9  }
0x27: {  	s1 =	sld [smem:$0x3FAD]  }
0x28: {  	s2 =	sld [smem:$0x3FAE]  }
0x29: {  	s4 =	sld [smem:$0x3FB0]  }
0x2a: {  	p0 =	seq.s32 s5, $0x0;
	s5 =	sld [smem:$0x3FB1]  }
0x2b: {  	s6 =	sld [smem:$0x3FB2]  }
0x2c: {  	s7 =	sld [smem:$0x3FB3]  }
0x2d: {  	s3 =	simm.s32 $0x108;
	s8 =	sld [smem:$0x3FB4]  }
0x2e: {  	s3 =	simm.s32 @!p0 $0x1082;
	s9 =	sld [smem:$0x3FB5]  }
0x2f: {  	lr =	sadd.s32 s0, s3;
	s0 =	sld [smem:$0x3FAC]  }
0x30: {  	s3 =	sld [smem:$0x3FAF]  }
0x31: {  	[smem:$0x3FB8] =	sst s10  }
0x32: {  	s10 =	sld [smem:$0x3FB6];
	_ =	sdelay $0x3  }
0x33: {  	p0 =	seq.s32 s10, $0x1;
	s10 =	sld [smem:$0x3FB8];
	_ =	sdelay $0x3  }
0x34: {  	[smem:$0x3FB8] =	sst s10  }
0x35: {  	s10 =	sld [smem:$0x3FB7];
	_ =	sdelay $0x3  }
0x36: {  	p1 =	seq.s32 s10, $0x1;
	s10 =	sld [smem:$0x3FB8];
	_ =	sdelay $0x3  }
0x37: {  	[smem:$0x3FB8] =	sst s10  }
0x38: {  	s10 =	sld [smem:$0x3FB9]  }
0x39: {  	_ = 	snop;
	(pc) =	sbr.ind lr, $3  }
0x3a: {  	_ = 	snop  }
0x3b: {  	_ = 	snop  }
0x3c: {  	p2 =	seq.s32 s10, $0x1;
	s10 =	sld [smem:$0x3FB8]  }
0x3d: {  	_ =	shalt  }
0x3e: {  	_ =	shalt  }
0x3f: {  	_ =	shalt  }
0x40: {  	_ =	shalt  }
0x41: {  	_ =	shalt  }
0x42: {  	_ =	shalt  }
0x43: {  	_ =	shalt  }
0x44: {  	_ =	shalt  }
0x45: {  	_ =	shalt  }
0x46: {  	_ =	shalt  }
0x47: {  	_ =	shalt  }
0x48: {  	_ =	shalt  }
0x49: {  	_ =	shalt  }
0x4a: {  	_ =	shalt  }
0x4b: {  	_ =	shalt  }
0x4c: {  	_ =	shalt  }
0x4d: {  	_ =	shalt  }
0x4e: {  	_ =	shalt  }
0x4f: {  	_ =	shalt  }
0x50: {  	_ =	shalt  }
0x51: {  	_ =	shalt  }
0x52: {  	_ =	shalt  }
0x53: {  	_ =	shalt  }
0x54: {  	_ =	shalt  }
0x55: {  	_ =	shalt  }
0x56: {  	_ =	shalt  }
0x57: {  	_ =	shalt  }
0x58: {  	_ =	shalt  }
0x59: {  	_ =	shalt  }
0x5a: {  	_ =	shalt  }
0x5b: {  	_ =	shalt  }
0x5c: {  	_ =	shalt  }
0x5d: {  	_ =	shalt  }
0x5e: {  	_ =	shalt  }
0x5f: {  	_ =	shalt  }
0x60: {  	_ =	shalt  }
0x61: {  	_ =	shalt  }
0x62: {  	_ =	shalt  }
0x63: {  	_ =	shalt  }
0x64: {  	_ =	shalt  }
0x65: {  	_ =	shalt  }
0x66: {  	_ =	shalt  }
0x67: {  	_ =	shalt  }
0x68: {  	_ =	shalt  }
0x69: {  	_ =	shalt  }
0x6a: {  	_ =	shalt  }
0x6b: {  	_ =	shalt  }
0x6c: {  	_ =	shalt  }
0x6d: {  	_ =	shalt  }
0x6e: {  	_ =	shalt  }
0x6f: {  	_ =	shalt  }
0x70: {  	_ =	shalt  }
0x71: {  	_ =	shalt  }
0x72: {  	_ =	shalt  }
0x73: {  	_ =	shalt  }
0x74: {  	_ =	shalt  }
0x75: {  	_ =	shalt  }
0x76: {  	_ =	shalt  }
0x77: {  	_ =	shalt  }
0x78: {  	_ =	shalt  }
0x79: {  	_ =	shalt  }
0x7a: {  	_ =	shalt  }
0x7b: {  	_ =	shalt  }
0x7c: {  	_ =	shalt  }
0x7d: {  	_ =	shalt  }
0x7e: {  	_ =	shalt  }
0x7f: {  	_ =	shalt  }
0x80: {  	_ =	shalt  }
0x81: {  	_ =	shalt  }
0x82: {  	_ =	shalt  }
0x83: {  	_ =	shalt  }
0x84: {  	_ =	shalt  }
0x85: {  	_ =	shalt  }
0x86: {  	_ =	shalt  }
0x87: {  	_ =	shalt  }
.Lfunc_end0:
.L_simem_size_0:
called_computation.2_lowered:
.L_overlay_start_0:
0x88: {  	s2 =	sld [smem:$0x3FD9]  }
0x89: {  	s3 =	sld [smem:$0x3FFE];
	_ =	sdelay $0x1  }
0x8a: {  	s1 =	srdreg.scid  }
0x8b: {  	s0 =	sand.u32 $0x1, s1  }
0x8c: {  	s17 =	sshll.u32 s0, $0xA;
	s2 =	sadd.s32 s3, s2  }
0x8d: {  	s2 =	sadd.s32 s2, s17  }
0x8e: {  	[smem:$0x3FC4] =	sst s2  }
0x8f: {  	_ = 	snop  }
0x90: {  	s2 =	sld [smem:$0x3FC9]  }
0x91: {  	s18 =	sld [smem:$0x3FD0];
	(tm) =	ssettm $0x1  }
0x92: {  	s4 =	sld [smem:$0x3FFB];
	_ =	sdelay $0x3  }
0x93: {  	_ =	strace s4  }
0x94: {  	s4 =	sld [smem:$0x3FFC];
	_ =	sdelay $0x3  }
0x95: {  	_ =	strace s4  }
0x96: {  	s4 =	sld [smem:$0x3FFD];
	_ =	sdelay $0x3  }
0x97: {  	_ =	strace s4  }
0x98: {  	_ =	strace $0x8FFFFFFF  }
0x99: {  	s19 =	sld [smem:$0x3FDB];
	_ =	sdelay $0x1  }
0x9a: {  	s5 =	simm.s32 $_scs_section_size  }
0x9b: {  	s6 =	simm.s32 $_size__tile_overlayer_lowered;
	s7 =	simm.s32 $_tile_overlayer_lowered  }
0x9c: {  	s22 =	simm.s32 $0x1BFF;
	s21 =	sshll.u32 s7, $0x1;
	s4 =	sadd.s32 s5, s19  }
0x9d: {  	s8 =	simm.s32 $0x0;
	s20 =	sshll.u32 s6, $0x1;
	s6 =	sadd.s32 s21, s4  }
0x9e: {  	[timem:s8], [sflag:s22] =	dma.local [hbm:s6], s20  }
0x9f: {  	_ =	swait.ge [sflag:s22], s20  }
0xa0: {  	s5 =	ssub.s32 $0x0, s20;
	[sflag:s22] =	ssyncset.done $0x0  }
0xa1: {  	[sflag:s22] =	ssyncadd.s32 s5;
	_ =	sdelay $0x1  }
0xa2: {  	s23 =	simm.s32 $0x1B8B  }
0xa3: {  	_ =	swait.ge [sflag:s23], $0x1  }
0xa4: {  	[sflag:s23] =	ssyncset.done $0x0  }
0xa5: {  	s25 =	simm.s32 $0x1B8E;
	s24 =	sld [smem:$0x3FFE];
	[sflag:s23] =	ssyncadd.s32 $0xFFFFFFFF  }
0xa6: {  	s26 =	simm.s32 $execute0_lowered;
	[smem:$0x3FD2] =	sst s25  }
0xa7: {  	s6 =	sshll.u32 s26, $0x1;
	_ =	strace $0x80000046;
	[dreg:$0x1] =	wrdreg $0xFFFFFFFF  }
0xa8: {  	s28 =	simm.s32 $_size_execute0_lowered;
	s4 =	sadd.s32 s4, s6;
	[dreg:$0x0] =	wrdreg $0x0  }
0xa9: {  	s6 =	sshll.u32 s28, $0x1;
	[dreg:$0x2] =	wrdreg s4  }
0xaa: {  	[dreg:$0x3] =	wrdreg s6  }
0xab: {  	[dreg:$0x4] =	wrdreg $0xC0  }
0xac: {  	_ =	task [dreg:s8], $0x5FFFF  }
0xad: {  	[dreg:$0x1] =	wrdreg $0xFFFFFFFF  }
0xae: {  	[dreg:$0x0] =	wrdreg $0x60  }
0xaf: {  	[dreg:$0x2] =	wrdreg s2  }
0xb0: {  	[dreg:$0x3] =	wrdreg s18  }
0xb1: {  	[dreg:$0x4] =	wrdreg s24  }
0xb2: {  	[dreg:$0x5] =	wrdreg $0xB  }
0xb3: {  	_ =	task.clear_ibuf [dreg:s8], $0x6FFFF;
	_ =	strace $0x90000046  }
0xb4: {  	s29 =	simm.s32 $0xB;
	_ =	strace $0x80000048  }
0xb5: {  	_ =	swait.ge [sflag:s29], $0x1  }
0xb6: {  	[sflag:s29] =	ssyncadd.s32 $0xFFFFFFFF  }
0xb7: {  	_ =	strace $0x90000048  }
0xb8: {  	_ =	sfence  }
0xb9: {  	s30 =	sld [smem:$0x0];
	_ =	sdelay $0x2  }
0xba: {  	s31 =	sshll.u32 s1, $0xD;
	s1 =	sshrl.u32 s1, $0x2  }
0xbb: {  	s3 =	sand.u32 $0x4000, s31;
	s1 =	sadd.s32 s1, s30  }
0xbc: {  	s0 =	sor.u32 s3, s0;
	s1 =	sshll.u32 s1, $0x11  }
0xbd: {  	s0 =	sor.u32 s1, s0  }
0xbe: {  	s0 =	sadd.s32 $0x8F2B, s0  }
0xbf: {  	[sflag:s0] =	ssyncadd.remote.s32 $0x1  }
0xc0: {  	_ =	sfence.sel $0xFFFF  }
0xc1: {  	[dreg:$0x0] =	wrdreg $0xFFFFFFFF;
	(pc) =	sbr.abs _section_cstart, $3  }
0xc2: {  	[dreg:$0x1] =	wrdreg $0xFFFFFFFF  }
0xc3: {  	_ =	task.clear_ibuf [dreg:s8], $0x2FFFF;
	_ =	strace $0x9FFFFFFF  }
0xc4: {  	(tm) =	ssettm $0x7FFFFFFF  }
0xc5: {  	_ =	shalt  }
tec
execute0_lowered:
.L_overlay_start_1:
0x0: {  	(tag) =	ssettag $0x1  }
0x1: {  	s4 =	rddreg [dreg:$0x0];
	s1 =	srdreg.scid  }
0x2: {  	s0 =	stileid.u32;
	s3 =	rddreg [dreg:$0x1];
	v0 =	vimm.s32 $0x2380;
	vm0 =	vcmask $0x300  }
0x3: {  	s6 =	rddreg [dreg:$0x2];
	vm14 =	vcmask $0x704;
	s2 =	simm.s32 $0x0;
	s16 =	simm.s32 $0x5;
	v0 =	vsel vm0, $0x0, v0  }
0x4: {  	vm15 =	vcmask $0xB08;
	s17 =	simm.s32 $0x10080;
	s18 =	simm.s32 $0x10100;
	s19 =	simm.s32 $0x80;
	v0 =	vsel vm14, $0x80, v0  }
0x5: {  	vm4 =	vcmask $0xF0C;
	s20 =	simm.s32 $0x4080;
	s21 =	simm.s32 $0x8080;
	s22 =	simm.s32 $0xC080;
	v0 =	vsel vm15, $0x100, v0  }
0x6: {  	vm5 =	vcmask $0x1310;
	s23 =	simm.s32 $0x1;
	s24 =	simm.s32 $0x2;
	s25 =	simm.s32 $0x3;
	v0 =	vsel vm4, $0x180, v0  }
0x7: {  	vm6 =	vcmask $0x1714;
	s26 =	simm.s32 $0x4;
	s28 =	simm.s32 $0x10180;
	s5 =	sand.u32 $0x1, s1;
	v0 =	vsel vm5, $0x200, v0  }
0x8: {  	vm7 =	vcmask $0x1B18;
	s30 =	sshll.u32 s0, $0x1;
	s1 =	rddreg [dreg:$0x3];
	s8 =	sshll.u32 s0, $0x5;
	v0 =	vsel vm6, $0x280, v0  }
0x9: {  	vm8 =	vcmask $0x1F1C;
	[smem:$0x7FF] =	sst s2;
	s7 =	sor.u32 s5, s30;
	s8 =	sand.u32 $0x180, s8;
	v0 =	vsel vm7, $0x300, v0  }
0xa: {  	vm9 =	vcmask $0x2320;
	_ =	strace $0x80000047;
	s5 =	ssub.s32 $0x2, s5;
	s9 =	sshll.u32 s7, $0x4;
	v0 =	vsel vm8, $0x380, v0  }
0xb: {  	vm10 =	vcmask $0x2724;
	s31 =	sshrl.u32 s5, $0x1;
	s7 =	sshll.u32 s7, $0xE;
	s10 =	sand.u32 $0x70, s9;
	v0 =	vsel vm9, $0x2000, v0  }
0xc: {  	vm11 =	vcmask $0x2B28;
	s14 =	sadd.s32 s9, s6;
	s15 =	ssub.s32 s5, s31;
	s13 =	sadd.s32 s7, s4;
	v0 =	vsel vm10, $0x2080, v0  }
0xd: {  	vm12 =	vcmask $0x2F2C;
	s8 =	sor.u32 s8, s10;
	s7 =	sadd.s32 $0x100000, s13;
	s9 =	sadd.s32 $0x101800, s13;
	v0 =	vsel vm11, $0x2100, v0  }
0xe: {  	vm13 =	vcmask $0x3330;
	s11 =	sadd.s32 $0x102800, s13;
	s12 =	sadd.s32 $0x103000, s13;
	s14 =	sadd.s32 $0x2600, s14;
	v0 =	vsel vm12, $0x2180, v0  }
0xf: {  	vm14 =	vcmask $0x3734;
	s15 =	smax.u32 s15, $0x1;
	s10 =	sadd.s32 s8, s6;
	s3 =	sadd.s32 s3, s8;
	v0 =	vsel vm13, $0x2200, v0  }
0x10: {  	vm15 =	vcmask $0x3B38;
	s6 =	sadd.s32 $0x100800, s13;
	s8 =	sadd.s32 $0x101000, s13;
	s4 =	sadd.s32 $0x2200, s10;
	v0 =	vsel vm14, $0x2280, v0  }
0x11: {  	s5 =	sadd.s32 $0x2400, s10;
	s10 =	sadd.s32 $0x102000, s13;
	s13 =	sadd.s32 $0x103800, s13;
	v0 =	vsel vm15, $0x2300, v0  }
.LBB2_1:
0x12: {  	[tilespmem:s2], [sflag:$0x5] =	stream.linear.gather [hbm4b:s3+s2], $0x80, $0x38;
	[tilespmem:$0x10200] =	vst v63  }
0x13: {  	_ =	swait.ge [sflag:s16], $0x80  }
0x14: {  	[sflag:s16] =	ssyncset.done $0x0  }
0x15: {  	[sflag:s16] =	ssyncadd.s32 $0xFFFFFF80  }
0x16: {  	[tilespmem:s17], [sflag:$0x5] =	stream.linear.gather [hbm4b:s4+s2], $0x80, $0x38;
	[tilespmem:$0x10200] =	vst v63  }
0x17: {  	_ =	swait.ge [sflag:s16], $0x80  }
0x18: {  	[sflag:s16] =	ssyncset.done $0x0  }
0x19: {  	[sflag:s16] =	ssyncadd.s32 $0xFFFFFF80  }
0x1a: {  	[tilespmem:s18], [sflag:$0x5] =	stream.linear.gather [hbm4b:s5+s2], $0x80, $0x38;
	[tilespmem:$0x10200] =	vst v63  }
0x1b: {  	_ =	swait.ge [sflag:s16], $0x80  }
0x1c: {  	[sflag:s16] =	ssyncset.done $0x0  }
0x1d: {  	[sflag:s16] =	ssyncadd.s32 $0xFFFFFF80  }
0x1e: {  	[tilespmem:s19], [sflag:$0x1] =	stream.linear.gather [hbm4b:s7+s2], $0x4000, $0x38;
	[tilespmem:$0x10200] =	vst v63  }
0x1f: {  	_ = 	snop  }
0x20: {  	[tilespmem:s20], [sflag:$0x2] =	stream.linear.gather [hbm4b:s6+s2], $0x4000, $0x38;
	[tilespmem:$0x10200] =	vst v63  }
0x21: {  	_ = 	snop  }
0x22: {  	[tilespmem:s21], [sflag:$0x3] =	stream.linear.gather [hbm4b:s8+s2], $0x4000, $0x38;
	[tilespmem:$0x10200] =	vst v63  }
0x23: {  	_ = 	snop  }
0x24: {  	[tilespmem:s22], [sflag:$0x4] =	stream.linear.gather [hbm4b:s9+s2], $0x4000, $0x38;
	[tilespmem:$0x10200] =	vst v63  }
0x25: {  	_ =	swait.ge [sflag:s23], $0x4000  }
0x26: {  	[sflag:s23] =	ssyncset.done $0x0  }
0x27: {  	[sflag:s23] =	ssyncadd.s32 $0xFFFFC000  }
0x28: {  	v1 =	vld [tilespmem:$0x0];
	_ =	sdelay $0x4  }
0x29: {  	v2 =	vshll.u32 v1, $0x3  }
0x2a: {  	v1 =	vand.u32 $0x7F, v1;
	v2 =	vand.u32 $0xFFFFFC00, v2  }
0x2b: {  	v1 =	vor.u32 v1, v2  }
0x2c: {  	v1 =	vadd.s32 v0, v1;
	_ =	sdelay $0x3  }
0x2d: {  	v2 =	vld [tilespmem:$0x10080]  }
0x2e: {  	v1 =	vld.idx.msk [tilespmem:v1+s19+$0x0], $0xffff;
	_ =	sdelay $0x1  }
0x2f: {  	v3 =	vld [tilespmem:$0x10100];
	_ =	sdelay $0x2  }
0x30: {  	v1 =	vmul.f32 v2, v1;
	_ =	sdelay $0x1  }
0x31: {  	v1 =	vadd.f32 v3, v1;
	_ =	sdelay $0x1  }
0x32: {  	[tilespmem:$0x10180] =	vst v1  }
0x33: {  	[tilespmem:s19], [sflag:$0x1] =	stream.linear.gather [hbm4b:s10+s2], $0x4000, $0x38;
	[tilespmem:$0x10200] =	vst v63  }
0x34: {  	_ =	swait.ge [sflag:s24], $0x4000  }
0x35: {  	[sflag:s24] =	ssyncset.done $0x0  }
0x36: {  	[sflag:s24] =	ssyncadd.s32 $0xFFFFC000  }
0x37: {  	v1 =	vld [tilespmem:$0x10];
	_ =	sdelay $0x4  }
0x38: {  	v2 =	vshll.u32 v1, $0x3  }
0x39: {  	v1 =	vand.u32 $0x7F, v1;
	v2 =	vand.u32 $0xFFFFFC00, v2  }
0x3a: {  	v1 =	vor.u32 v1, v2  }
0x3b: {  	v1 =	vadd.s32 v0, v1;
	_ =	sdelay $0x3  }
0x3c: {  	v2 =	vld [tilespmem:$0x10090]  }
0x3d: {  	v1 =	vld.idx.msk [tilespmem:v1+s20+$0x0], $0xffff;
	_ =	sdelay $0x1  }
0x3e: {  	v3 =	vld [tilespmem:$0x10110];
	_ =	sdelay $0x2  }
0x3f: {  	v1 =	vmul.f32 v2, v1;
	_ =	sdelay $0x1  }
0x40: {  	v1 =	vadd.f32 v3, v1;
	_ =	sdelay $0x1  }
0x41: {  	[tilespmem:$0x10190] =	vst v1  }
0x42: {  	[tilespmem:s20], [sflag:$0x2] =	stream.linear.gather [hbm4b:s11+s2], $0x4000, $0x38;
	[tilespmem:$0x10200] =	vst v63  }
0x43: {  	_ =	swait.ge [sflag:s25], $0x4000  }
0x44: {  	[sflag:s25] =	ssyncset.done $0x0  }
0x45: {  	[sflag:s25] =	ssyncadd.s32 $0xFFFFC000  }
0x46: {  	v1 =	vld [tilespmem:$0x20];
	_ =	sdelay $0x4  }
0x47: {  	v2 =	vshll.u32 v1, $0x3  }
0x48: {  	v1 =	vand.u32 $0x7F, v1;
	v2 =	vand.u32 $0xFFFFFC00, v2  }
0x49: {  	v1 =	vor.u32 v1, v2  }
0x4a: {  	v1 =	vadd.s32 v0, v1;
	_ =	sdelay $0x3  }
0x4b: {  	v2 =	vld [tilespmem:$0x100A0]  }
0x4c: {  	v1 =	vld.idx.msk [tilespmem:v1+s21+$0x0], $0xffff;
	_ =	sdelay $0x1  }
0x4d: {  	v3 =	vld [tilespmem:$0x10120];
	_ =	sdelay $0x2  }
0x4e: {  	v1 =	vmul.f32 v2, v1;
	_ =	sdelay $0x1  }
0x4f: {  	v1 =	vadd.f32 v3, v1;
	_ =	sdelay $0x1  }
0x50: {  	[tilespmem:$0x101A0] =	vst v1  }
0x51: {  	[tilespmem:s21], [sflag:$0x3] =	stream.linear.gather [hbm4b:s12+s2], $0x4000, $0x38;
	[tilespmem:$0x10200] =	vst v63  }
0x52: {  	_ =	swait.ge [sflag:s26], $0x4000  }
0x53: {  	[sflag:s26] =	ssyncset.done $0x0  }
0x54: {  	[sflag:s26] =	ssyncadd.s32 $0xFFFFC000  }
0x55: {  	v1 =	vld [tilespmem:$0x30];
	_ =	sdelay $0x4  }
0x56: {  	v2 =	vshll.u32 v1, $0x3  }
0x57: {  	v1 =	vand.u32 $0x7F, v1;
	v2 =	vand.u32 $0xFFFFFC00, v2  }
0x58: {  	v1 =	vor.u32 v1, v2  }
0x59: {  	v1 =	vadd.s32 v0, v1;
	_ =	sdelay $0x3  }
0x5a: {  	v2 =	vld [tilespmem:$0x100B0]  }
0x5b: {  	v1 =	vld.idx.msk [tilespmem:v1+s22+$0x0], $0xffff;
	_ =	sdelay $0x1  }
0x5c: {  	v3 =	vld [tilespmem:$0x10130];
	_ =	sdelay $0x2  }
0x5d: {  	v1 =	vmul.f32 v2, v1;
	_ =	sdelay $0x1  }
0x5e: {  	v1 =	vadd.f32 v3, v1;
	_ =	sdelay $0x1  }
0x5f: {  	[tilespmem:$0x101B0] =	vst v1  }
0x60: {  	[tilespmem:s22], [sflag:$0x4] =	stream.linear.gather [hbm4b:s13+s2], $0x4000, $0x38;
	[tilespmem:$0x10200] =	vst v63  }
0x61: {  	_ =	swait.ge [sflag:s23], $0x4000  }
0x62: {  	[sflag:s23] =	ssyncset.done $0x0  }
0x63: {  	[sflag:s23] =	ssyncadd.s32 $0xFFFFC000  }
0x64: {  	v1 =	vld [tilespmem:$0x40];
	_ =	sdelay $0x4  }
0x65: {  	v2 =	vshll.u32 v1, $0x3  }
0x66: {  	v1 =	vand.u32 $0x7F, v1;
	v2 =	vand.u32 $0xFFFFFC00, v2  }
0x67: {  	v1 =	vor.u32 v1, v2  }
0x68: {  	v1 =	vadd.s32 v0, v1;
	_ =	sdelay $0x3  }
0x69: {  	v2 =	vld [tilespmem:$0x100C0]  }
0x6a: {  	v1 =	vld.idx.msk [tilespmem:v1+s19+$0x0], $0xffff;
	_ =	sdelay $0x1  }
0x6b: {  	v3 =	vld [tilespmem:$0x10140];
	_ =	sdelay $0x2  }
0x6c: {  	v1 =	vmul.f32 v2, v1;
	_ =	sdelay $0x1  }
0x6d: {  	v1 =	vadd.f32 v3, v1;
	_ =	sdelay $0x1  }
0x6e: {  	[tilespmem:$0x101C0] =	vst v1  }
0x6f: {  	_ =	swait.ge [sflag:s24], $0x4000  }
0x70: {  	[sflag:s24] =	ssyncset.done $0x0  }
0x71: {  	[sflag:s24] =	ssyncadd.s32 $0xFFFFC000  }
0x72: {  	v1 =	vld [tilespmem:$0x50];
	_ =	sdelay $0x4  }
0x73: {  	v2 =	vshll.u32 v1, $0x3  }
0x74: {  	v1 =	vand.u32 $0x7F, v1;
	v2 =	vand.u32 $0xFFFFFC00, v2  }
0x75: {  	v1 =	vor.u32 v1, v2  }
0x76: {  	v1 =	vadd.s32 v0, v1;
	_ =	sdelay $0x3  }
0x77: {  	v2 =	vld [tilespmem:$0x100D0]  }
0x78: {  	v1 =	vld.idx.msk [tilespmem:v1+s20+$0x0], $0xffff;
	_ =	sdelay $0x1  }
0x79: {  	v3 =	vld [tilespmem:$0x10150];
	_ =	sdelay $0x2  }
0x7a: {  	v1 =	vmul.f32 v2, v1;
	_ =	sdelay $0x1  }
0x7b: {  	v1 =	vadd.f32 v3, v1;
	_ =	sdelay $0x1  }
0x7c: {  	[tilespmem:$0x101D0] =	vst v1  }
0x7d: {  	_ =	swait.ge [sflag:s25], $0x4000  }
0x7e: {  	[sflag:s25] =	ssyncset.done $0x0  }
0x7f: {  	[sflag:s25] =	ssyncadd.s32 $0xFFFFC000  }
0x80: {  	v1 =	vld [tilespmem:$0x60];
	_ =	sdelay $0x4  }
0x81: {  	v2 =	vshll.u32 v1, $0x3  }
0x82: {  	v1 =	vand.u32 $0x7F, v1;
	v2 =	vand.u32 $0xFFFFFC00, v2  }
0x83: {  	v1 =	vor.u32 v1, v2  }
0x84: {  	v1 =	vadd.s32 v0, v1;
	_ =	sdelay $0x3  }
0x85: {  	v2 =	vld [tilespmem:$0x100E0]  }
0x86: {  	v1 =	vld.idx.msk [tilespmem:v1+s21+$0x0], $0xffff;
	_ =	sdelay $0x1  }
0x87: {  	v3 =	vld [tilespmem:$0x10160];
	_ =	sdelay $0x2  }
0x88: {  	v1 =	vmul.f32 v2, v1;
	_ =	sdelay $0x1  }
0x89: {  	v1 =	vadd.f32 v3, v1;
	_ =	sdelay $0x1  }
0x8a: {  	[tilespmem:$0x101E0] =	vst v1  }
0x8b: {  	_ =	swait.ge [sflag:s26], $0x4000  }
0x8c: {  	[sflag:s26] =	ssyncset.done $0x0  }
0x8d: {  	[sflag:s26] =	ssyncadd.s32 $0xFFFFC000  }
0x8e: {  	v1 =	vld [tilespmem:$0x70];
	_ =	sdelay $0x4  }
0x8f: {  	v2 =	vshll.u32 v1, $0x3  }
0x90: {  	v1 =	vand.u32 $0x7F, v1;
	v2 =	vand.u32 $0xFFFFFC00, v2  }
0x91: {  	v1 =	vor.u32 v1, v2  }
0x92: {  	v1 =	vadd.s32 v0, v1;
	_ =	sdelay $0x3  }
0x93: {  	v2 =	vld [tilespmem:$0x100F0]  }
0x94: {  	v1 =	vld.idx.msk [tilespmem:v1+s22+$0x0], $0xffff;
	_ =	sdelay $0x1  }
0x95: {  	v3 =	vld [tilespmem:$0x10170];
	_ =	sdelay $0x2  }
0x96: {  	v1 =	vmul.f32 v2, v1;
	_ =	sdelay $0x1  }
0x97: {  	v1 =	vadd.f32 v3, v1  }
0x98: {  	p0 =	sne.s32 s15, $0x1  }
.Ltmp0:
0x99: {  	[tilespmem:$0x101F0] =	vst v1;
	(pc) =	sbr.rel @p0 .LBB2_1-.Ltmp0, $4  }
0x9a: {  	[hbm4b:s14+s2] =	stream.linear.scatter [tilespmem:s28], [sflag:$0x5], $0x80, $0x38;
	[tilespmem:$0x10200] =	vst v63  }
0x9b: {  	_ =	swait.ge [sflag:s16], $0x80  }
0x9c: {  	[sflag:s16] =	ssyncset.done $0x0  }
0x9d: {  	s15 =	sadd.s32 $0xFFFFFFFF, s15;
	[sflag:s16] =	ssyncadd.s32 $0xFFFFFF80  }
0x9e: {  	_ =	sfence.sel $0x180000  }
0x9f: {  	[bflag:$0x0] =	sbarrier.arrive $0xFFFF  }
0xa0: {  	p0 =	sne.s32 s0, $0x0;
	_ =	strace $0x90000047  }
0xa1: {  	s0 =	sadd.s32 @!p0 $0x100000, s1;
	[bflag:$0x2] =	sbarrier.arrive $0xFFFF  }
0xa2: {  	[sflag:s0] =	ssyncadd.tile.s32 @!p0 $0x1;
	_ =	shalt  }
.Lfunc_end2:
_tile_overlayer_lowered:
.L_overlay_start_2:
0xa3: {  	(tag) =	ssettag $0x2  }
0xa4: {  	s0 =	rddreg [dreg:$0x0];
	s2 =	stileid.u32  }
0xa5: {  	s1 =	rddreg [dreg:$0x1];
	p0 =	sne.s32 s2, $0x0  }
0xa6: {  	s3 =	rddreg [dreg:$0x2];
	[bflag:$0x3] =	sbarrier.arrive $0xFFFF;
	s2 =	simm.s32 @!p0 $0x1C05  }
0xa7: {  	[timem:s3], [sflag:s2] =	dma.local @!p0 [hbm:s0], s1  }
0xa8: {  	s0 =	simm.s32 @!p0 $0x5  }
0xa9: {  	_ =	swait.ge @!p0 [sflag:s0], s1  }
0xaa: {  	s1 =	ssub.s32 @!p0 $0x0, s1;
	[sflag:s0] =	ssyncset.done @!p0 $0x0  }
0xab: {  	[sflag:s0] =	ssyncadd.s32 @!p0 s1  }
0xac: {  	[bflag:$0x3] =	sbarrier.arrive $0xFFFF  }
0xad: {  	_ =	shalt  }

// kernel: kernel.9.cloned.1.call-start
scs
__scs_entry_jumppad:
0x0: {  	(pc) =	sbr.rel $0x88, $3  }
0x1: {  	(tag) =	ssettag $0x0;
	lr =	simm.s32 $0x1  }
0x2: {  	[smem:$0x3F9D] =	sst lr;
	_ =	strace $0xD0000000  }
0x3: {  	_ = 	snop  }
0x4: {  	_ = 	snop  }
0x5: {  	_ = 	snop  }
0x6: {  	_ = 	snop  }
0x7: {  	_ = 	snop  }
__scs_overlays_trampoline_lowered:
0x8: {  	[smem:$0x3FAC] =	sst s0  }
0x9: {  	[smem:$0x3FAD] =	sst s1  }
0xa: {  	[smem:$0x3FAE] =	sst s2  }
0xb: {  	[smem:$0x3FAF] =	sst s3  }
0xc: {  	[smem:$0x3FB0] =	sst s4  }
0xd: {  	[smem:$0x3FB1] =	sst s5  }
0xe: {  	[smem:$0x3FB2] =	sst s6  }
0xf: {  	[smem:$0x3FB3] =	sst s7  }
0x10: {  	[smem:$0x3FB4] =	sst s8  }
0x11: {  	[smem:$0x3FB5] =	sst s9;
	s0 =	simm.s32 @!p0 $0x0  }
0x12: {  	s1 =	sld [smem:$0x3F9B];
	s0 =	simm.s32 @p0 $0x1  }
0x13: {  	[smem:$0x3FB6] =	sst s0;
	s0 =	simm.s32 @!p1 $0x0  }
0x14: {  	s2 =	sld [smem:$0x3F9A];
	s0 =	simm.s32 @p1 $0x1  }
0x15: {  	[smem:$0x3FB7] =	sst s0;
	s0 =	simm.s32 @!p2 $0x0  }
0x16: {  	s3 =	sld [smem:$0x3FDB];
	s0 =	simm.s32 @p2 $0x1  }
0x17: {  	s4 =	simm.s32 $0x1BF5;
	[smem:$0x3FB9] =	sst s0  }
0x18: {  	s0 =	sld [smem:$0x3F9C];
	_ =	swait.ge [sflag:s4], $0x0  }
0x19: {  	s7 =	sld [smem:$0x3F9D]  }
0x1a: {  	s8 =	sadd.s32 $0xFFFFE003, lr  }
0x1b: {  	s9 =	sadd.s32 $0xFFFFFEF7, lr;
	s5 =	simm.s32 $0xFFFFFFFF;
	p2 =	slt.u32 s8, $0xFFFFF086  }
0x1c: {  	p1 =	slt.u32 s9, $0xF7A;
	s5 =	simm.s32 @!p2 $0x0  }
0x1d: {  	s5 =	simm.s32 @p1 $0x1;
	p0 =	seq.s32 s7, s2  }
0x1e: {  	s7 =	smul.u32 @!p0 $0xF7A, s2;
	p2 =	seq.s32 @!p0 s5, $0x0  }
0x1f: {  	s9 =	smul.u32 $0xF7A, s1;
	s8 =	simm.s32 @!p0 $0x1BF5;
	p2 =	por !p2, p0  }
0x20: {  	[sflag:s8] =	ssyncset.s32 @!p0 $0xFFFFF086;
	s6 =	sadd.s32 @!p0 s3, s7;
	s7 =	simm.s32 @!p0 $0x108  }
0x21: {  	s3 =	sadd.s32 s3, s9;
	s6 =	sadd.s32 @!p0 $0x88, s6;
	s7 =	simm.s32 @p2 $0x1082  }
0x22: {  	[simem:s7], [sflag:s8] =	dma.local @!p0 [hbm:s6], $0xF7A  }
0x23: {  	s9 =	sor.u32 $0xD0000000, s2;
	s6 =	simm.s32 $0x108;
	_ =	swait.ge @!p0 [sflag:s8], $0x0  }
0x24: {  	s3 =	sadd.s32 $0x88, s3;
	s6 =	simm.s32 @!p1 $0x1082;
	[sflag:s4] =	ssyncset.s32 $0xFFFFF086  }
0x25: {  	[simem:s6], [sflag:s4] =	dma.local [hbm:s3], $0xF7A  }
0x26: {  	[smem:$0x3F9D] =	sst s1;
	(tag) =	ssettag s2;
	_ =	strace s9  }
0x27: {  	s1 =	sld [smem:$0x3FAD]  }
0x28: {  	s2 =	sld [smem:$0x3FAE]  }
0x29: {  	s4 =	sld [smem:$0x3FB0]  }
0x2a: {  	p0 =	seq.s32 s5, $0x0;
	s5 =	sld [smem:$0x3FB1]  }
0x2b: {  	s6 =	sld [smem:$0x3FB2]  }
0x2c: {  	s7 =	sld [smem:$0x3FB3]  }
0x2d: {  	s3 =	simm.s32 $0x108;
	s8 =	sld [smem:$0x3FB4]  }
0x2e: {  	s3 =	simm.s32 @!p0 $0x1082;
	s9 =	sld [smem:$0x3FB5]  }
0x2f: {  	lr =	sadd.s32 s0, s3;
	s0 =	sld [smem:$0x3FAC]  }
0x30: {  	s3 =	sld [smem:$0x3FAF]  }
0x31: {  	[smem:$0x3FB8] =	sst s10  }
0x32: {  	s10 =	sld [smem:$0x3FB6];
	_ =	sdelay $0x3  }
0x33: {  	p0 =	seq.s32 s10, $0x1;
	s10 =	sld [smem:$0x3FB8];
	_ =	sdelay $0x3  }
0x34: {  	[smem:$0x3FB8] =	sst s10  }
0x35: {  	s10 =	sld [smem:$0x3FB7];
	_ =	sdelay $0x3  }
0x36: {  	p1 =	seq.s32 s10, $0x1;
	s10 =	sld [smem:$0x3FB8];
	_ =	sdelay $0x3  }
0x37: {  	[smem:$0x3FB8] =	sst s10  }
0x38: {  	s10 =	sld [smem:$0x3FB9]  }
0x39: {  	_ = 	snop;
	(pc) =	sbr.ind lr, $3  }
0x3a: {  	_ = 	snop  }
0x3b: {  	_ = 	snop  }
0x3c: {  	p2 =	seq.s32 s10, $0x1;
	s10 =	sld [smem:$0x3FB8]  }
0x3d: {  	_ =	shalt  }
0x3e: {  	_ =	shalt  }
0x3f: {  	_ =	shalt  }
0x40: {  	_ =	shalt  }
0x41: {  	_ =	shalt  }
0x42: {  	_ =	shalt  }
0x43: {  	_ =	shalt  }
0x44: {  	_ =	shalt  }
0x45: {  	_ =	shalt  }
0x46: {  	_ =	shalt  }
0x47: {  	_ =	shalt  }
0x48: {  	_ =	shalt  }
0x49: {  	_ =	shalt  }
0x4a: {  	_ =	shalt  }
0x4b: {  	_ =	shalt  }
0x4c: {  	_ =	shalt  }
0x4d: {  	_ =	shalt  }
0x4e: {  	_ =	shalt  }
0x4f: {  	_ =	shalt  }
0x50: {  	_ =	shalt  }
0x51: {  	_ =	shalt  }
0x52: {  	_ =	shalt  }
0x53: {  	_ =	shalt  }
0x54: {  	_ =	shalt  }
0x55: {  	_ =	shalt  }
0x56: {  	_ =	shalt  }
0x57: {  	_ =	shalt  }
0x58: {  	_ =	shalt  }
0x59: {  	_ =	shalt  }
0x5a: {  	_ =	shalt  }
0x5b: {  	_ =	shalt  }
0x5c: {  	_ =	shalt  }
0x5d: {  	_ =	shalt  }
0x5e: {  	_ =	shalt  }
0x5f: {  	_ =	shalt  }
0x60: {  	_ =	shalt  }
0x61: {  	_ =	shalt  }
0x62: {  	_ =	shalt  }
0x63: {  	_ =	shalt  }
0x64: {  	_ =	shalt  }
0x65: {  	_ =	shalt  }
0x66: {  	_ =	shalt  }
0x67: {  	_ =	shalt  }
0x68: {  	_ =	shalt  }
0x69: {  	_ =	shalt  }
0x6a: {  	_ =	shalt  }
0x6b: {  	_ =	shalt  }
0x6c: {  	_ =	shalt  }
0x6d: {  	_ =	shalt  }
0x6e: {  	_ =	shalt  }
0x6f: {  	_ =	shalt  }
0x70: {  	_ =	shalt  }
0x71: {  	_ =	shalt  }
0x72: {  	_ =	shalt  }
0x73: {  	_ =	shalt  }
0x74: {  	_ =	shalt  }
0x75: {  	_ =	shalt  }
0x76: {  	_ =	shalt  }
0x77: {  	_ =	shalt  }
0x78: {  	_ =	shalt  }
0x79: {  	_ =	shalt  }
0x7a: {  	_ =	shalt  }
0x7b: {  	_ =	shalt  }
0x7c: {  	_ =	shalt  }
0x7d: {  	_ =	shalt  }
0x7e: {  	_ =	shalt  }
0x7f: {  	_ =	shalt  }
0x80: {  	_ =	shalt  }
0x81: {  	_ =	shalt  }
0x82: {  	_ =	shalt  }
0x83: {  	_ =	shalt  }
0x84: {  	_ =	shalt  }
0x85: {  	_ =	shalt  }
0x86: {  	_ =	shalt  }
0x87: {  	_ =	shalt  }
.Lfunc_end0:
.L_simem_size_0:
called_computation_lowered:
.L_overlay_start_0:
0x88: {  	s2 =	sld [smem:$0x3FD9]  }
0x89: {  	s3 =	sld [smem:$0x3FFE];
	_ =	sdelay $0x1  }
0x8a: {  	s1 =	srdreg.scid  }
0x8b: {  	s0 =	sand.u32 $0x1, s1  }
0x8c: {  	s17 =	sshll.u32 s0, $0xA;
	s2 =	sadd.s32 s3, s2  }
0x8d: {  	s2 =	sadd.s32 s2, s17  }
0x8e: {  	[smem:$0x3FC4] =	sst s2  }
0x8f: {  	_ = 	snop  }
0x90: {  	s18 =	sld [smem:$0x3FC9];
	(tm) =	ssettm $0x1  }
0x91: {  	s19 =	sld [smem:$0x3FFB];
	_ =	sdelay $0x3  }
0x92: {  	_ =	strace s19  }
0x93: {  	s2 =	sld [smem:$0x3FFC];
	_ =	sdelay $0x3  }
0x94: {  	_ =	strace s2  }
0x95: {  	s2 =	sld [smem:$0x3FFD];
	_ =	sdelay $0x3  }
0x96: {  	_ =	strace s2  }
0x97: {  	_ =	strace $0x8FFFFFFF  }
0x98: {  	s20 =	sld [smem:$0x3FDB];
	_ =	sdelay $0x1  }
0x99: {  	s4 =	simm.s32 $_scs_section_size  }
0x9a: {  	s5 =	simm.s32 $_size__tile_overlayer_lowered;
	s6 =	simm.s32 $_tile_overlayer_lowered  }
0x9b: {  	s7 =	simm.s32 $0x1BFF;
	s21 =	sshll.u32 s6, $0x1;
	s4 =	sadd.s32 s4, s20  }
0x9c: {  	s22 =	simm.s32 $0x0;
	s5 =	sshll.u32 s5, $0x1;
	s6 =	sadd.s32 s21, s4  }
0x9d: {  	[timem:s22], [sflag:s7] =	dma.local [hbm:s6], s5  }
0x9e: {  	_ =	swait.ge [sflag:s7], s5  }
0x9f: {  	s5 =	ssub.s32 $0x0, s5;
	[sflag:s7] =	ssyncset.done $0x0  }
0xa0: {  	[sflag:s7] =	ssyncadd.s32 s5;
	_ =	sdelay $0x1  }
0xa1: {  	s23 =	simm.s32 $0x1B8B  }
0xa2: {  	_ =	swait.ge [sflag:s23], $0x1  }
0xa3: {  	[sflag:s23] =	ssyncset.done $0x0  }
0xa4: {  	[sflag:s23] =	ssyncadd.s32 $0xFFFFFFFF  }
0xa5: {  	s5 =	sld [smem:$0x0]  }
0xa6: {  	s6 =	sand.u32 $0xFFFFFFFE, s1  }
0xa7: {  	p0 =	sne.s32 s1, s6  }
0xa8: {  	s6 =	sshll.u32 @p0 s6, $0xE  }
0xa9: {  	s6 =	sadd.s32 @p0 $0x11B8D, s6;
	s7 =	sshll.u32 @p0 s5, $0x11  }
0xaa: {  	s6 =	sor.u32 @p0 s7, s6  }
0xab: {  	[sflag:s6] =	ssyncadd.remote.s32 @p0 $0x1;
	_ =	sdelay $0x1  }
0xac: {  	s6 =	simm.s32 @p0 $0x1B8D  }
0xad: {  	_ =	swait.eq @p0 [sflag:s6], $0x1  }
0xae: {  	[sflag:s6] =	ssyncadd.s32 @p0 $0xFFFFFFFF  }
0xaf: {  	s7 =	sshll.u32 @!p0 s1, $0xE  }
0xb0: {  	s7 =	sor.u32 @!p0 $0x4000, s7;
	s6 =	simm.s32 @!p0 $0x1B8D  }
0xb1: {  	s5 =	sshll.u32 @!p0 s5, $0x11;
	s7 =	sadd.s32 @!p0 $0x11B8D, s7;
	_ =	swait.eq @!p0 [sflag:s6], $0x1  }
0xb2: {  	s5 =	sor.u32 @!p0 s5, s7;
	[sflag:s6] =	ssyncadd.s32 @!p0 $0xFFFFFFFF  }
0xb3: {  	s25 =	simm.s32 $0x1B8E;
	s24 =	sld [smem:$0x3FFE];
	[sflag:s5] =	ssyncadd.remote.s32 @!p0 $0x1  }
0xb4: {  	s26 =	simm.s32 $execute0_lowered;
	[smem:$0x3FD2] =	sst s25  }
0xb5: {  	s6 =	sshll.u32 s26, $0x1;
	_ =	strace $0x8000004C;
	[dreg:$0x1] =	wrdreg $0xFFFFFFFF  }
0xb6: {  	s28 =	simm.s32 $_size_execute0_lowered;
	s4 =	sadd.s32 s4, s6;
	[dreg:$0x0] =	wrdreg $0x0  }
0xb7: {  	s6 =	sshll.u32 s28, $0x1;
	[dreg:$0x2] =	wrdreg s4  }
0xb8: {  	[dreg:$0x3] =	wrdreg s6  }
0xb9: {  	[dreg:$0x4] =	wrdreg $0xC0  }
0xba: {  	_ =	task [dreg:s22], $0x5FFFF  }
0xbb: {  	[dreg:$0x1] =	wrdreg $0xFFFFFFFF  }
0xbc: {  	[dreg:$0x0] =	wrdreg $0x60  }
0xbd: {  	[dreg:$0x2] =	wrdreg s18  }
0xbe: {  	[dreg:$0x3] =	wrdreg s24  }
0xbf: {  	[dreg:$0x4] =	wrdreg $0x9  }
0xc0: {  	_ =	task.clear_ibuf [dreg:s22], $0x5FFFF;
	_ =	strace $0x9000004C  }
0xc1: {  	s29 =	simm.s32 $0x9;
	_ =	strace $0x8000004E  }
0xc2: {  	_ =	swait.ge [sflag:s29], $0x1  }
0xc3: {  	[sflag:s29] =	ssyncadd.s32 $0xFFFFFFFF  }
0xc4: {  	_ =	strace $0x9000004E  }
0xc5: {  	_ =	sfence  }
0xc6: {  	s30 =	sld [smem:$0x0];
	_ =	sdelay $0x2  }
0xc7: {  	s31 =	sshll.u32 s1, $0xD;
	s1 =	sshrl.u32 s1, $0x2  }
0xc8: {  	s4 =	sand.u32 $0x4000, s31;
	s1 =	sadd.s32 s1, s30  }
0xc9: {  	s0 =	sor.u32 s4, s0;
	s1 =	sshll.u32 s1, $0x11  }
0xca: {  	s0 =	sor.u32 s1, s0  }
0xcb: {  	s0 =	sadd.s32 $0x8F2B, s0  }
0xcc: {  	[sflag:s0] =	ssyncadd.remote.s32 $0x1  }
0xcd: {  	_ =	sfence.sel $0xFFFF  }
0xce: {  	[dreg:$0x0] =	wrdreg $0xFFFFFFFF;
	(pc) =	sbr.abs _section_cstart, $3  }
0xcf: {  	[dreg:$0x1] =	wrdreg $0xFFFFFFFF  }
0xd0: {  	_ =	task.clear_ibuf [dreg:s22], $0x2FFFF;
	_ =	strace $0x9FFFFFFF  }
0xd1: {  	(tm) =	ssettm $0x7FFFFFFF  }
tec
execute0_lowered:
.L_overlay_start_1:
0x0: {  	(tag) =	ssettag $0x1  }
0x1: {  	s6 =	rddreg [dreg:$0x0];
	s1 =	srdreg.scid;
	v0 =	vimm.s32 $0x2380;
	vm0 =	vcmask $0x300  }
0x2: {  	s0 =	stileid.u32;
	s3 =	rddreg [dreg:$0x1];
	vm14 =	vcmask $0x704;
	s16 =	simm.s32 $0x5;
	v0 =	vsel vm0, $0x0, v0  }
0x3: {  	vm15 =	vcmask $0xB08;
	s17 =	simm.s32 $0x10080;
	s18 =	simm.s32 $0x10100;
	s19 =	simm.s32 $0x80;
	v0 =	vsel vm14, $0x80, v0  }
0x4: {  	vm4 =	vcmask $0xF0C;
	s20 =	simm.s32 $0x4080;
	s21 =	simm.s32 $0x8080;
	s22 =	simm.s32 $0xC080;
	v0 =	vsel vm15, $0x100, v0  }
0x5: {  	vm5 =	vcmask $0x1310;
	s23 =	simm.s32 $0x1;
	s24 =	simm.s32 $0x2;
	s25 =	simm.s32 $0x3;
	v0 =	vsel vm4, $0x180, v0  }
0x6: {  	vm6 =	vcmask $0x1714;
	s26 =	simm.s32 $0x4;
	s28 =	simm.s32 $0x10180;
	s4 =	sand.u32 $0x1, s1;
	v0 =	vsel vm5, $0x200, v0  }
0x7: {  	vm7 =	vcmask $0x1B18;
	s2 =	sshll.u32 s0, $0x1;
	s1 =	rddreg [dreg:$0x2];
	s7 =	sshll.u32 s0, $0x5;
	v0 =	vsel vm6, $0x280, v0  }
0x8: {  	vm8 =	vcmask $0x1F1C;
	s5 =	sor.u32 s4, s2;
	s2 =	simm.s32 $0x0;
	s7 =	sand.u32 $0x180, s7;
	v0 =	vsel vm7, $0x300, v0  }
0x9: {  	vm9 =	vcmask $0x2320;
	s4 =	ssub.s32 $0x2, s4;
	s8 =	sshll.u32 s5, $0x4;
	[smem:$0x7FF] =	sst s2;
	v0 =	vsel vm8, $0x380, v0  }
0xa: {  	vm10 =	vcmask $0x2724;
	s30 =	sshrl.u32 s4, $0x1;
	s31 =	sshll.u32 s5, $0xE;
	s9 =	sand.u32 $0x70, s8;
	v0 =	vsel vm9, $0x2000, v0  }
0xb: {  	vm11 =	vcmask $0x2B28;
	_ =	strace $0x8000004D;
	s14 =	sadd.s32 s8, s3;
	s6 =	sadd.s32 s6, s31;
	v0 =	vsel vm10, $0x2080, v0  }
0xc: {  	vm12 =	vcmask $0x2F2C;
	s15 =	ssub.s32 s4, s30;
	s7 =	sor.u32 s7, s9;
	s8 =	sadd.s32 $0x1000, s6;
	v0 =	vsel vm11, $0x2100, v0  }
0xd: {  	vm13 =	vcmask $0x3330;
	s9 =	sadd.s32 $0x1800, s6;
	s10 =	sadd.s32 $0x2000, s6;
	s11 =	sadd.s32 $0x2800, s6;
	v0 =	vsel vm12, $0x2180, v0  }
0xe: {  	vm14 =	vcmask $0x3734;
	s12 =	sadd.s32 $0x3000, s6;
	s13 =	sadd.s32 $0x3800, s6;
	s7 =	sadd.s32 s7, s3;
	v0 =	vsel vm13, $0x2200, v0  }
0xf: {  	vm15 =	vcmask $0x3B38;
	s14 =	sadd.s32 $0x3600, s14;
	s15 =	smax.u32 s15, $0x1;
	s3 =	sadd.s32 $0x3000, s7;
	v0 =	vsel vm14, $0x2280, v0  }
0x10: {  	s4 =	sadd.s32 $0x3200, s7;
	s5 =	sadd.s32 $0x3400, s7;
	s7 =	sadd.s32 $0x800, s6;
	v0 =	vsel vm15, $0x2300, v0  }
.LBB2_1:
0x11: {  	[tilespmem:s2], [sflag:$0x5] =	stream.linear.gather [hbm4b:s3+s2], $0x80, $0x38;
	[tilespmem:$0x10200] =	vst v63  }
0x12: {  	_ =	swait.ge [sflag:s16], $0x80  }
0x13: {  	[sflag:s16] =	ssyncset.done $0x0  }
0x14: {  	[sflag:s16] =	ssyncadd.s32 $0xFFFFFF80  }
0x15: {  	[tilespmem:s17], [sflag:$0x5] =	stream.linear.gather [hbm4b:s4+s2], $0x80, $0x38;
	[tilespmem:$0x10200] =	vst v63  }
0x16: {  	_ =	swait.ge [sflag:s16], $0x80  }
0x17: {  	[sflag:s16] =	ssyncset.done $0x0  }
0x18: {  	[sflag:s16] =	ssyncadd.s32 $0xFFFFFF80  }
0x19: {  	[tilespmem:s18], [sflag:$0x5] =	stream.linear.gather [hbm4b:s5+s2], $0x80, $0x38;
	[tilespmem:$0x10200] =	vst v63  }
0x1a: {  	_ =	swait.ge [sflag:s16], $0x80  }
0x1b: {  	[sflag:s16] =	ssyncset.done $0x0  }
0x1c: {  	[sflag:s16] =	ssyncadd.s32 $0xFFFFFF80  }
0x1d: {  	[tilespmem:s19], [sflag:$0x1] =	stream.linear.gather [hbm4b:s6+s2], $0x4000, $0x38;
	[tilespmem:$0x10200] =	vst v63  }
0x1e: {  	_ = 	snop  }
0x1f: {  	[tilespmem:s20], [sflag:$0x2] =	stream.linear.gather [hbm4b:s7+s2], $0x4000, $0x38;
	[tilespmem:$0x10200] =	vst v63  }
0x20: {  	_ = 	snop  }
0x21: {  	[tilespmem:s21], [sflag:$0x3] =	stream.linear.gather [hbm4b:s8+s2], $0x4000, $0x38;
	[tilespmem:$0x10200] =	vst v63  }
0x22: {  	_ = 	snop  }
0x23: {  	[tilespmem:s22], [sflag:$0x4] =	stream.linear.gather [hbm4b:s9+s2], $0x4000, $0x38;
	[tilespmem:$0x10200] =	vst v63  }
0x24: {  	_ =	swait.ge [sflag:s23], $0x4000  }
0x25: {  	[sflag:s23] =	ssyncset.done $0x0  }
0x26: {  	[sflag:s23] =	ssyncadd.s32 $0xFFFFC000  }
0x27: {  	v1 =	vld [tilespmem:$0x0];
	_ =	sdelay $0x4  }
0x28: {  	v2 =	vshll.u32 v1, $0x3  }
0x29: {  	v1 =	vand.u32 $0x7F, v1;
	v2 =	vand.u32 $0xFFFFFC00, v2  }
0x2a: {  	v1 =	vor.u32 v1, v2  }
0x2b: {  	v1 =	vadd.s32 v0, v1;
	_ =	sdelay $0x3  }
0x2c: {  	v2 =	vld [tilespmem:$0x10080]  }
0x2d: {  	v1 =	vld.idx.msk [tilespmem:v1+s19+$0x0], $0xffff;
	_ =	sdelay $0x1  }
0x2e: {  	v3 =	vld [tilespmem:$0x10100];
	_ =	sdelay $0x2  }
0x2f: {  	v1 =	vmul.f32 v2, v1;
	_ =	sdelay $0x1  }
0x30: {  	v1 =	vadd.f32 v3, v1;
	_ =	sdelay $0x1  }
0x31: {  	[tilespmem:$0x10180] =	vst v1  }
0x32: {  	[tilespmem:s19], [sflag:$0x1] =	stream.linear.gather [hbm4b:s10+s2], $0x4000, $0x38;
	[tilespmem:$0x10200] =	vst v63  }
0x33: {  	_ =	swait.ge [sflag:s24], $0x4000  }
0x34: {  	[sflag:s24] =	ssyncset.done $0x0  }
0x35: {  	[sflag:s24] =	ssyncadd.s32 $0xFFFFC000  }
0x36: {  	v1 =	vld [tilespmem:$0x10];
	_ =	sdelay $0x4  }
0x37: {  	v2 =	vshll.u32 v1, $0x3  }
0x38: {  	v1 =	vand.u32 $0x7F, v1;
	v2 =	vand.u32 $0xFFFFFC00, v2  }
0x39: {  	v1 =	vor.u32 v1, v2  }
0x3a: {  	v1 =	vadd.s32 v0, v1;
	_ =	sdelay $0x3  }
0x3b: {  	v2 =	vld [tilespmem:$0x10090]  }
0x3c: {  	v1 =	vld.idx.msk [tilespmem:v1+s20+$0x0], $0xffff;
	_ =	sdelay $0x1  }
0x3d: {  	v3 =	vld [tilespmem:$0x10110];
	_ =	sdelay $0x2  }
0x3e: {  	v1 =	vmul.f32 v2, v1;
	_ =	sdelay $0x1  }
0x3f: {  	v1 =	vadd.f32 v3, v1;
	_ =	sdelay $0x1  }
0x40: {  	[tilespmem:$0x10190] =	vst v1  }
0x41: {  	[tilespmem:s20], [sflag:$0x2] =	stream.linear.gather [hbm4b:s11+s2], $0x4000, $0x38;
	[tilespmem:$0x10200] =	vst v63  }
0x42: {  	_ =	swait.ge [sflag:s25], $0x4000  }
0x43: {  	[sflag:s25] =	ssyncset.done $0x0  }
0x44: {  	[sflag:s25] =	ssyncadd.s32 $0xFFFFC000  }
0x45: {  	v1 =	vld [tilespmem:$0x20];
	_ =	sdelay $0x4  }
0x46: {  	v2 =	vshll.u32 v1, $0x3  }
0x47: {  	v1 =	vand.u32 $0x7F, v1;
	v2 =	vand.u32 $0xFFFFFC00, v2  }
0x48: {  	v1 =	vor.u32 v1, v2  }
0x49: {  	v1 =	vadd.s32 v0, v1;
	_ =	sdelay $0x3  }
0x4a: {  	v2 =	vld [tilespmem:$0x100A0]  }
0x4b: {  	v1 =	vld.idx.msk [tilespmem:v1+s21+$0x0], $0xffff;
	_ =	sdelay $0x1  }
0x4c: {  	v3 =	vld [tilespmem:$0x10120];
	_ =	sdelay $0x2  }
0x4d: {  	v1 =	vmul.f32 v2, v1;
	_ =	sdelay $0x1  }
0x4e: {  	v1 =	vadd.f32 v3, v1;
	_ =	sdelay $0x1  }
0x4f: {  	[tilespmem:$0x101A0] =	vst v1  }
0x50: {  	[tilespmem:s21], [sflag:$0x3] =	stream.linear.gather [hbm4b:s12+s2], $0x4000, $0x38;
	[tilespmem:$0x10200] =	vst v63  }
0x51: {  	_ =	swait.ge [sflag:s26], $0x4000  }
0x52: {  	[sflag:s26] =	ssyncset.done $0x0  }
0x53: {  	[sflag:s26] =	ssyncadd.s32 $0xFFFFC000  }
0x54: {  	v1 =	vld [tilespmem:$0x30];
	_ =	sdelay $0x4  }
0x55: {  	v2 =	vshll.u32 v1, $0x3  }
0x56: {  	v1 =	vand.u32 $0x7F, v1;
	v2 =	vand.u32 $0xFFFFFC00, v2  }
0x57: {  	v1 =	vor.u32 v1, v2  }
0x58: {  	v1 =	vadd.s32 v0, v1;
	_ =	sdelay $0x3  }
0x59: {  	v2 =	vld [tilespmem:$0x100B0]  }
0x5a: {  	v1 =	vld.idx.msk [tilespmem:v1+s22+$0x0], $0xffff;
	_ =	sdelay $0x1  }
0x5b: {  	v3 =	vld [tilespmem:$0x10130];
	_ =	sdelay $0x2  }
0x5c: {  	v1 =	vmul.f32 v2, v1;
	_ =	sdelay $0x1  }
0x5d: {  	v1 =	vadd.f32 v3, v1;
	_ =	sdelay $0x1  }
0x5e: {  	[tilespmem:$0x101B0] =	vst v1  }
0x5f: {  	[tilespmem:s22], [sflag:$0x4] =	stream.linear.gather [hbm4b:s13+s2], $0x4000, $0x38;
	[tilespmem:$0x10200] =	vst v63  }
0x60: {  	_ =	swait.ge [sflag:s23], $0x4000  }
0x61: {  	[sflag:s23] =	ssyncset.done $0x0  }
0x62: {  	[sflag:s23] =	ssyncadd.s32 $0xFFFFC000  }
0x63: {  	v1 =	vld [tilespmem:$0x40];
	_ =	sdelay $0x4  }
0x64: {  	v2 =	vshll.u32 v1, $0x3  }
0x65: {  	v1 =	vand.u32 $0x7F, v1;
	v2 =	vand.u32 $0xFFFFFC00, v2  }
0x66: {  	v1 =	vor.u32 v1, v2  }
0x67: {  	v1 =	vadd.s32 v0, v1;
	_ =	sdelay $0x3  }
0x68: {  	v2 =	vld [tilespmem:$0x100C0]  }
0x69: {  	v1 =	vld.idx.msk [tilespmem:v1+s19+$0x0], $0xffff;
	_ =	sdelay $0x1  }
0x6a: {  	v3 =	vld [tilespmem:$0x10140];
	_ =	sdelay $0x2  }
0x6b: {  	v1 =	vmul.f32 v2, v1;
	_ =	sdelay $0x1  }
0x6c: {  	v1 =	vadd.f32 v3, v1;
	_ =	sdelay $0x1  }
0x6d: {  	[tilespmem:$0x101C0] =	vst v1  }
0x6e: {  	_ =	swait.ge [sflag:s24], $0x4000  }
0x6f: {  	[sflag:s24] =	ssyncset.done $0x0  }
0x70: {  	[sflag:s24] =	ssyncadd.s32 $0xFFFFC000  }
0x71: {  	v1 =	vld [tilespmem:$0x50];
	_ =	sdelay $0x4  }
0x72: {  	v2 =	vshll.u32 v1, $0x3  }
0x73: {  	v1 =	vand.u32 $0x7F, v1;
	v2 =	vand.u32 $0xFFFFFC00, v2  }
0x74: {  	v1 =	vor.u32 v1, v2  }
0x75: {  	v1 =	vadd.s32 v0, v1;
	_ =	sdelay $0x3  }
0x76: {  	v2 =	vld [tilespmem:$0x100D0]  }
0x77: {  	v1 =	vld.idx.msk [tilespmem:v1+s20+$0x0], $0xffff;
	_ =	sdelay $0x1  }
0x78: {  	v3 =	vld [tilespmem:$0x10150];
	_ =	sdelay $0x2  }
0x79: {  	v1 =	vmul.f32 v2, v1;
	_ =	sdelay $0x1  }
0x7a: {  	v1 =	vadd.f32 v3, v1;
	_ =	sdelay $0x1  }
0x7b: {  	[tilespmem:$0x101D0] =	vst v1  }
0x7c: {  	_ =	swait.ge [sflag:s25], $0x4000  }
0x7d: {  	[sflag:s25] =	ssyncset.done $0x0  }
0x7e: {  	[sflag:s25] =	ssyncadd.s32 $0xFFFFC000  }
0x7f: {  	v1 =	vld [tilespmem:$0x60];
	_ =	sdelay $0x4  }
0x80: {  	v2 =	vshll.u32 v1, $0x3  }
0x81: {  	v1 =	vand.u32 $0x7F, v1;
	v2 =	vand.u32 $0xFFFFFC00, v2  }
0x82: {  	v1 =	vor.u32 v1, v2  }
0x83: {  	v1 =	vadd.s32 v0, v1;
	_ =	sdelay $0x3  }
0x84: {  	v2 =	vld [tilespmem:$0x100E0]  }
0x85: {  	v1 =	vld.idx.msk [tilespmem:v1+s21+$0x0], $0xffff;
	_ =	sdelay $0x1  }
0x86: {  	v3 =	vld [tilespmem:$0x10160];
	_ =	sdelay $0x2  }
0x87: {  	v1 =	vmul.f32 v2, v1;
	_ =	sdelay $0x1  }
0x88: {  	v1 =	vadd.f32 v3, v1;
	_ =	sdelay $0x1  }
0x89: {  	[tilespmem:$0x101E0] =	vst v1  }
0x8a: {  	_ =	swait.ge [sflag:s26], $0x4000  }
0x8b: {  	[sflag:s26] =	ssyncset.done $0x0  }
0x8c: {  	[sflag:s26] =	ssyncadd.s32 $0xFFFFC000  }
0x8d: {  	v1 =	vld [tilespmem:$0x70];
	_ =	sdelay $0x4  }
0x8e: {  	v2 =	vshll.u32 v1, $0x3  }
0x8f: {  	v1 =	vand.u32 $0x7F, v1;
	v2 =	vand.u32 $0xFFFFFC00, v2  }
0x90: {  	v1 =	vor.u32 v1, v2  }
0x91: {  	v1 =	vadd.s32 v0, v1;
	_ =	sdelay $0x3  }
0x92: {  	v2 =	vld [tilespmem:$0x100F0]  }
0x93: {  	v1 =	vld.idx.msk [tilespmem:v1+s22+$0x0], $0xffff;
	_ =	sdelay $0x1  }
0x94: {  	v3 =	vld [tilespmem:$0x10170];
	_ =	sdelay $0x2  }
0x95: {  	v1 =	vmul.f32 v2, v1;
	_ =	sdelay $0x1  }
0x96: {  	v1 =	vadd.f32 v3, v1  }
0x97: {  	p0 =	sne.s32 s15, $0x1  }
.Ltmp0:
0x98: {  	[tilespmem:$0x101F0] =	vst v1;
	(pc) =	sbr.rel @p0 .LBB2_1-.Ltmp0, $4  }
0x99: {  	[hbm4b:s14+s2] =	stream.linear.scatter [tilespmem:s28], [sflag:$0x5], $0x80, $0x38;
	[tilespmem:$0x10200] =	vst v63  }
0x9a: {  	_ =	swait.ge [sflag:s16], $0x80  }
0x9b: {  	[sflag:s16] =	ssyncset.done $0x0  }
0x9c: {  	s15 =	sadd.s32 $0xFFFFFFFF, s15;
	[sflag:s16] =	ssyncadd.s32 $0xFFFFFF80  }
0x9d: {  	_ =	sfence.sel $0x180000  }
0x9e: {  	[bflag:$0x0] =	sbarrier.arrive $0xFFFF  }
0x9f: {  	p0 =	sne.s32 s0, $0x0;
	_ =	strace $0x9000004D  }
0xa0: {  	s0 =	sadd.s32 @!p0 $0x100000, s1;
	[bflag:$0x2] =	sbarrier.arrive $0xFFFF  }
0xa1: {  	[sflag:s0] =	ssyncadd.tile.s32 @!p0 $0x1;
	_ =	shalt  }
.Lfunc_end2:
_tile_overlayer_lowered:
.L_overlay_start_2:
0xa2: {  	(tag) =	ssettag $0x2  }
0xa3: {  	s0 =	rddreg [dreg:$0x0];
	s2 =	stileid.u32  }
0xa4: {  	s1 =	rddreg [dreg:$0x1];
	p0 =	sne.s32 s2, $0x0  }
0xa5: {  	s3 =	rddreg [dreg:$0x2];
	[bflag:$0x3] =	sbarrier.arrive $0xFFFF;
	s2 =	simm.s32 @!p0 $0x1C05  }
0xa6: {  	[timem:s3], [sflag:s2] =	dma.local @!p0 [hbm:s0], s1  }
0xa7: {  	s0 =	simm.s32 @!p0 $0x5  }
0xa8: {  	_ =	swait.ge @!p0 [sflag:s0], s1  }
0xa9: {  	s1 =	ssub.s32 @!p0 $0x0, s1;
	[sflag:s0] =	ssyncset.done @!p0 $0x0  }
0xaa: {  	[sflag:s0] =	ssyncadd.s32 @!p0 s1  }
0xab: {  	[bflag:$0x3] =	sbarrier.arrive $0xFFFF  }
0xac: {  	_ =	shalt  }

</sc_bundles>
